<compile_context>
chip_gen: v7x
topology: tpu7x:2x2x1
jax: 0.10.2.dev20260603
libtpu: 0.0.44.dev20260713+nightly
codegen_flags: <defaults>
</compile_context>

<pallas_src>
import functools
import jax
import jax.numpy as jnp
from jax.experimental import pallas as pl
from jax.experimental.pallas import tpu as pltpu
from jax.experimental.pallas import tpu_sc as plsc

B, N = 4, 1024
DIM, POS_DIM, K = 256, 16, 16
ALPHA, SIGMA = 0.1, 1.0

_NC, _NS, _L = 2, 16, 16
_NW = _NC * _NS
_RPW = (B * N) // _NW
_GR = 16


def _tc1_kernel(states_ref, positions_ref, wf_ref, bf_ref, wv_ref, bv_ref,
                sq_ref, newpos_ref, flow_ref, values_ref):
    states = states_ref[0]
    positions = positions_ref[0]
    flow = jax.lax.dot_general(
        states, wf_ref[...], (((1,), (1,)), ((), ())),
        preferred_element_type=jnp.float32) + bf_ref[...][None, :]
    newpos = positions + ALPHA * flow
    flow_ref[0] = flow
    newpos_ref[0] = newpos
    values_ref[0] = jax.lax.dot_general(
        states, wv_ref[...], (((1,), (1,)), ((), ())),
        preferred_element_type=jnp.float32) + bv_ref[...][None, :]
    gram = jax.lax.dot_general(
        newpos, newpos, (((1,), (1,)), ((), ())),
        precision=jax.lax.Precision.HIGHEST,
        preferred_element_type=jnp.float32)
    sqn = jnp.sum(newpos * newpos, axis=1, keepdims=True)
    ones_row = jnp.ones((1, POS_DIM), dtype=jnp.float32)
    sqn_cols = jax.lax.dot_general(
        ones_row, newpos * newpos, (((1,), (1,)), ((), ())),
        precision=jax.lax.Precision.HIGHEST,
        preferred_element_type=jnp.float32)
    sq_ref[0] = jnp.maximum(sqn + sqn_cols - 2.0 * gram, 0.0)


def _sc_thresh_kernel(sq_hbm, t_hbm, rows_v, tvec_v):
    wid = jax.lax.axis_index("s") * _NC + jax.lax.axis_index("c")
    base = wid * _RPW
    iota = jax.lax.iota(jnp.int32, _L)
    big = jnp.float32(3e38)

    for g in range(_RPW // _GR):
        row0 = base + g * _GR
        pltpu.sync_copy(sq_hbm.at[pl.ds(row0, _GR)], rows_v)

        def row_body(r, tvec):
            rg = row0 + r
            col = rg % N
            cd = col // _L
            ln = col % _L

            def chunk_body(c, cur):
                v = rows_v[r, pl.ds(c * _L, _L)]
                v = jnp.where(jnp.logical_and(iota == ln, c == cd), big, v)
                vs = jnp.sort(v)
                lo = jnp.minimum(vs, jax.lax.rev(cur, (0,)))
                return jnp.sort(lo)

            cur = jax.lax.fori_loop(
                0, N // _L, chunk_body, jnp.full((_L,), big, jnp.float32))
            return jnp.where(iota == r, cur[_L - 1], tvec)

        tvec_v[...] = jax.lax.fori_loop(
            0, _GR, row_body, jnp.zeros((_L,), jnp.float32))
        pltpu.sync_copy(tvec_v, t_hbm.at[pl.ds(row0, _GR)])


def _sc_thresh(sq_flat):
    mesh = plsc.VectorSubcoreMesh(core_axis_name="c", subcore_axis_name="s")
    return pl.kernel(
        _sc_thresh_kernel,
        mesh=mesh,
        out_type=jax.ShapeDtypeStruct((B * N,), jnp.float32),
        scratch_types=[
            pltpu.VMEM((_GR, N), jnp.float32),
            pltpu.VMEM((_L,), jnp.float32),
        ],
        compiler_params=pltpu.CompilerParams(needs_layout_passes=False),
    )(sq_flat)


def _tc2_kernel(sq_ref, t_ref, values_ref, ctx_ref):
    sqm = sq_ref[0]
    t = t_ref[0]
    values = values_ref[0]
    iota_j = jax.lax.broadcasted_iota(jnp.int32, (N, N), 1)
    iota_i = jax.lax.broadcasted_iota(jnp.int32, (N, N), 0)
    d = jnp.sqrt(sqm)
    w = jnp.where((sqm <= t) & (iota_j != iota_i),
                  jnp.exp(d * (-1.0 / (2.0 * SIGMA ** 2))), 0.0)
    s = jax.lax.dot_general(
        w, jnp.ones((N, 1), dtype=jnp.float32), (((1,), (0,)), ((), ())),
        preferred_element_type=jnp.float32) + 1e-8
    ctx_ref[0] = jax.lax.dot_general(
        w, values, (((1,), (0,)), ((), ())),
        preferred_element_type=jnp.float32) / s


def kernel(states, positions, W_flow, b_flow, W_val, b_val):
    sq, new_positions, flow_vectors, values = pl.pallas_call(
        _tc1_kernel,
        grid=(B,),
        in_specs=[
            pl.BlockSpec((1, N, DIM), lambda b: (b, 0, 0)),
            pl.BlockSpec((1, N, POS_DIM), lambda b: (b, 0, 0)),
            pl.BlockSpec((POS_DIM, DIM), lambda b: (0, 0)),
            pl.BlockSpec((POS_DIM,), lambda b: (0,)),
            pl.BlockSpec((DIM, DIM), lambda b: (0, 0)),
            pl.BlockSpec((DIM,), lambda b: (0,)),
        ],
        out_specs=(
            pl.BlockSpec((1, N, N), lambda b: (b, 0, 0)),
            pl.BlockSpec((1, N, POS_DIM), lambda b: (b, 0, 0)),
            pl.BlockSpec((1, N, POS_DIM), lambda b: (b, 0, 0)),
            pl.BlockSpec((1, N, DIM), lambda b: (b, 0, 0)),
        ),
        out_shape=(
            jax.ShapeDtypeStruct((B, N, N), jnp.float32),
            jax.ShapeDtypeStruct((B, N, POS_DIM), jnp.float32),
            jax.ShapeDtypeStruct((B, N, POS_DIM), jnp.float32),
            jax.ShapeDtypeStruct((B, N, DIM), jnp.float32),
        ),
    )(states, positions, W_flow, b_flow, W_val, b_val)

    t = _sc_thresh(sq.reshape(B * N, N)).reshape(B, N, 1)

    context = pl.pallas_call(
        _tc2_kernel,
        grid=(B,),
        in_specs=[
            pl.BlockSpec((1, N, N), lambda b: (b, 0, 0)),
            pl.BlockSpec((1, N, 1), lambda b: (b, 0, 0)),
            pl.BlockSpec((1, N, DIM), lambda b: (b, 0, 0)),
        ],
        out_specs=pl.BlockSpec((1, N, DIM), lambda b: (b, 0, 0)),
        out_shape=jax.ShapeDtypeStruct((B, N, DIM), jnp.float32),
    )(sq, t, values)
    return (context, new_positions, flow_vectors)

# --- scband reference (transcript-rebuilt; emitter-appended) ---
"""Pipeline reference for scband-dynamic-flow-attention-90417651515905 (READ-ONLY COPY).

The authoritative reference and input builder live on the scoring server;
editing this copy changes nothing except your own understanding.
"""

import jax, jax.numpy as jnp
import numpy as np

B, N = 4, 1024
DIM, POS_DIM, K = 256, 16, 16
ALPHA, SIGMA = 0.1, 1.0


def setup_inputs(seed: int = 0) -> dict:
    key = jax.random.key(seed)
    ks = jax.random.split(key, 6)
    states = jax.random.normal(ks[0], (B, N, DIM), dtype=jnp.float32)
    positions = jax.random.normal(ks[1], (B, N, POS_DIM), dtype=jnp.float32)
    bound_f = 1.0 / np.sqrt(DIM)
    W_flow = jax.random.uniform(ks[2], (POS_DIM, DIM), jnp.float32, -bound_f, bound_f)
    b_flow = jax.random.uniform(ks[3], (POS_DIM,), jnp.float32, -bound_f, bound_f)
    W_val = jax.random.uniform(ks[4], (DIM, DIM), jnp.float32, -bound_f, bound_f)
    b_val = jax.random.uniform(ks[5], (DIM,), jnp.float32, -bound_f, bound_f)
    return {"states": states, "positions": positions, "W_flow": W_flow,
            "b_flow": b_flow, "W_val": W_val, "b_val": b_val}


def _pairwise_dist(pos):
    # faithful to torch.norm(p_i - p_j) but with a safe sqrt so the zero
    # diagonal does not produce NaN gradients (torch subgradient is 0 there)
    diff = pos[:, :, None, :] - pos[:, None, :, :]
    sq = jnp.sum(diff * diff, axis=-1)
    safe = jnp.where(sq == 0.0, 1.0, sq)
    d = jnp.sqrt(safe)
    return jnp.where(sq == 0.0, 0.0, d)


def reference(states, positions, W_flow, b_flow, W_val, b_val):
    # flow_projection
    flow_vectors = states @ W_flow.T + b_flow
    new_positions = positions + ALPHA * flow_vectors
    # knn_search
    dist = _pairwise_dist(new_positions)
    dist_knn = dist + jnp.eye(N, dtype=dist.dtype) * 1000000.0
    _, neighbors = jax.lax.top_k(-dist_knn, K)  # smallest distances
    # gaussian_affinity (distances recomputed from same new_positions -> reuse dist)
    b_idx = jnp.arange(B)[:, None, None]
    i_idx = jnp.arange(N)[None, :, None]
    neighbor_mask = jnp.zeros((B, N, N), dtype=jnp.float32).at[b_idx, i_idx, neighbors].set(1.0)
    masked_dist = dist * neighbor_mask
    affinities = jnp.exp(-masked_dist / (2.0 * SIGMA ** 2)) * neighbor_mask
    row_sums = jnp.sum(affinities, axis=-1, keepdims=True) + 1e-08
    affinities = affinities / row_sums
    # value_projection + aggregate_flow_attention (bmm)
    values = states @ W_val.T + b_val
    context = jnp.einsum('bij,bjd->bid', affinities, values)
    return (context, new_positions, flow_vectors)

if __name__ == "__main__":
    import jax
    _d = setup_inputs()
    print(jax.jit(kernel)(*tuple(_d.values())))

</pallas_src>

<mosaic_0001>
#map = affine_map<(d0, d1) -> (0, 0)>
#map1 = affine_map<(d0, d1) -> (0)>
module attributes {stable_mosaic.version = 14 : i64} {
  func.func @_sc_thresh_kernel(%arg0: i32, %arg1: i32, %arg2: memref<4096x1024xf32, #tpu.memory_space<hbm>>, %arg3: memref<4096xf32, #tpu.memory_space<hbm>>, %arg4: memref<16x1024xf32, #tpu.memory_space<vmem>>, %arg5: memref<16xf32, #tpu.memory_space<vmem>>) attributes {dimension_semantics = [#tpu.dimension_semantics<core_parallel>, #tpu.dimension_semantics<subcore_parallel>], iteration_bounds = array<i64: 2, 16>, scalar_prefetch = 0 : i64, scratch_operands = 2 : i64, tpu.core_type = #tpu.core_type<sc_vector_subcore>, window_params = [{transform_indices = #map}, {transform_indices = #map1}]} {
    %mul3A = arith.constant 2 : i32
    %mul3A_0 = arith.muli %arg1, %mul3A : i32
    %add3A = arith.addi %mul3A_0, %arg0 : i32
    %mul3A_1 = arith.constant 128 : i32
    %mul3A_2 = arith.muli %add3A, %mul3A_1 : i32
    %iota3A = tpu.iota {dimensions = array<i32: 0>} : vector<16xi32>
    %add3A_3 = arith.constant 0 : i32
    %add3A_4 = arith.addi %mul3A_2, %add3A_3 : i32
    "tpu.region"() ({
      %run_scoped3A = tpu.sem_alloc : memref<!tpu.dma_semaphore, #tpu.memory_space<semaphore_mem>>
      %dma_start3A = arith.constant 0 : i32
      %dma_start3A_104 = tpu.memref_slice %arg2[%add3A_4, %dma_start3A] : memref<4096x1024xf32, #tpu.memory_space<hbm>> -> memref<16x1024xf32, #tpu.memory_space<hbm>>
      %dma_start3A_105 = arith.constant 0 : i32
      %dma_start3A_106 = tpu.memref_slice %arg2[%add3A_4, %dma_start3A_105] : memref<4096x1024xf32, #tpu.memory_space<hbm>> -> memref<16x1024xf32, #tpu.memory_space<hbm>>
      tpu.enqueue_dma source(%dma_start3A_106 : memref<16x1024xf32, #tpu.memory_space<hbm>>) target(%arg4 : memref<16x1024xf32, #tpu.memory_space<vmem>>) target_semaphore(%run_scoped3A : memref<!tpu.dma_semaphore, #tpu.memory_space<semaphore_mem>>)
      %dma_wait3A = arith.constant 0 : i32
      %dma_wait3A_107 = tpu.memref_slice %arg2[%add3A_4, %dma_wait3A] : memref<4096x1024xf32, #tpu.memory_space<hbm>> -> memref<16x1024xf32, #tpu.memory_space<hbm>>
      %dma_wait3A_108 = arith.constant 0 : i32
      %dma_wait3A_109 = tpu.memref_slice %arg2[%add3A_4, %dma_wait3A_108] : memref<4096x1024xf32, #tpu.memory_space<hbm>> -> memref<16x1024xf32, #tpu.memory_space<hbm>>
      tpu.wait_dma2 semaphore(%run_scoped3A : memref<!tpu.dma_semaphore, #tpu.memory_space<semaphore_mem>>) src(%dma_wait3A_109 : memref<16x1024xf32, #tpu.memory_space<hbm>>) dst(%arg4 : memref<16x1024xf32, #tpu.memory_space<vmem>>)
      tpu.yield
    }) : () -> ()
    %broadcast_in_dim3A = arith.constant 0.000000e+00 : f32
    %broadcast_in_dim3A_5 = vector.broadcast %broadcast_in_dim3A : f32 to vector<16xf32>
    %scan3A = arith.constant 3.000000e+38 : f32
    %scan3A_6 = arith.constant 0 : i32
    %scan3A_7 = arith.constant 16 : i32
    %scan3A_8 = arith.addi %scan3A_6, %scan3A_7 : i32
    %scan3A_9 = arith.constant 1 : i32
    %scan3A_10 = scf.for %scan3A_104 = %scan3A_6 to %scan3A_8 step %scan3A_9 iter_args(%scan3A_105 = %broadcast_in_dim3A_5) -> (vector<16xf32>)  : i32 {
      %add3A_106 = arith.addi %add3A_4, %scan3A_104 : i32
      %jit3A = arith.constant 1024 : i32
      %eq3A = arith.constant 0 : i32
      %eq3A_107 = arith.cmpi eq, %jit3A, %eq3A : i32
      %jit3A_108 = arith.constant 1 : i32
      %select_n3A = arith.select %eq3A_107, %jit3A_108, %jit3A : i32
      %rem3A = arith.remsi %add3A_106, %select_n3A : i32
      %ne3A = arith.constant 0 : i32
      %ne3A_109 = arith.cmpi ne, %rem3A, %ne3A : i32
      %lt3A = arith.constant 0 : i32
      %lt3A_110 = arith.cmpi slt, %rem3A, %lt3A : i32
      %lt3A_111 = arith.constant 0 : i32
      %lt3A_112 = arith.cmpi slt, %select_n3A, %lt3A_111 : i32
      %ne3A_113 = arith.xori %lt3A_110, %lt3A_112 : i1
      %and3A = arith.andi %ne3A_113, %ne3A_109 : i1
      %add3A_114 = arith.addi %rem3A, %select_n3A : i32
      %select_n3A_115 = arith.select %and3A, %add3A_114, %rem3A : i32
      %jit3A_116 = arith.constant 16 : i32
      %div3A = arith.divsi %select_n3A_115, %jit3A_116 : i32
      %sign3A = arith.constant 0 : i32
      %sign3A_117 = arith.cmpi sgt, %select_n3A_115, %sign3A : i32
      %sign3A_118 = arith.extui %sign3A_117 : i1 to i32
      %sign3A_119 = arith.constant 0 : i32
      %sign3A_120 = arith.cmpi slt, %select_n3A_115, %sign3A_119 : i32
      %sign3A_121 = arith.extui %sign3A_120 : i1 to i32
      %sign3A_122 = arith.subi %sign3A_118, %sign3A_121 : i32
      %sign3A_123 = arith.constant 0 : i32
      %sign3A_124 = arith.cmpi sgt, %jit3A_116, %sign3A_123 : i32
      %sign3A_125 = arith.extui %sign3A_124 : i1 to i32
      %sign3A_126 = arith.constant 0 : i32
      %sign3A_127 = arith.cmpi slt, %jit3A_116, %sign3A_126 : i32
      %sign3A_128 = arith.extui %sign3A_127 : i1 to i32
      %sign3A_129 = arith.subi %sign3A_125, %sign3A_128 : i32
      %ne3A_130 = arith.cmpi ne, %sign3A_122, %sign3A_129 : i32
      %rem3A_131 = arith.remsi %select_n3A_115, %jit3A_116 : i32
      %ne3A_132 = arith.constant 0 : i32
      %ne3A_133 = arith.cmpi ne, %rem3A_131, %ne3A_132 : i32
      %and3A_134 = arith.andi %ne3A_130, %ne3A_133 : i1
      %sub3A = arith.constant 1 : i32
      %sub3A_135 = arith.subi %div3A, %sub3A : i32
      %select_n3A_136 = arith.select %and3A_134, %sub3A_135, %div3A : i32
      %jit3A_137 = arith.constant 16 : i32
      %eq3A_138 = arith.constant 0 : i32
      %eq3A_139 = arith.cmpi eq, %jit3A_137, %eq3A_138 : i32
      %jit3A_140 = arith.constant 1 : i32
      %select_n3A_141 = arith.select %eq3A_139, %jit3A_140, %jit3A_137 : i32
      %rem3A_142 = arith.remsi %select_n3A_115, %select_n3A_141 : i32
      %ne3A_143 = arith.constant 0 : i32
      %ne3A_144 = arith.cmpi ne, %rem3A_142, %ne3A_143 : i32
      %lt3A_145 = arith.constant 0 : i32
      %lt3A_146 = arith.cmpi slt, %rem3A_142, %lt3A_145 : i32
      %lt3A_147 = arith.constant 0 : i32
      %lt3A_148 = arith.cmpi slt, %select_n3A_141, %lt3A_147 : i32
      %ne3A_149 = arith.xori %lt3A_146, %lt3A_148 : i1
      %and3A_150 = arith.andi %ne3A_149, %ne3A_144 : i1
      %add3A_151 = arith.addi %rem3A_142, %select_n3A_141 : i32
      %select_n3A_152 = arith.select %and3A_150, %add3A_151, %rem3A_142 : i32
      %broadcast_in_dim3A_153 = vector.broadcast %scan3A : f32 to vector<16xf32>
      %scan3A_154 = arith.constant 0 : i32
      %scan3A_155 = arith.constant 64 : i32
      %scan3A_156 = arith.addi %scan3A_154, %scan3A_155 : i32
      %scan3A_157 = arith.constant 1 : i32
      %scan3A_158 = scf.for %scan3A_164 = %scan3A_154 to %scan3A_156 step %scan3A_157 iter_args(%scan3A_165 = %broadcast_in_dim3A_153) -> (vector<16xf32>)  : i32 {
        %mul3A_166 = arith.constant 16 : i32
        %mul3A_167 = arith.muli %scan3A_164, %mul3A_166 : i32
        %get3A = arith.index_cast %scan3A_104 : i32 to index
        %get3A_168 = arith.index_cast %mul3A_167 : i32 to index
        %get3A_169 = tpu.vector_load %arg4[%get3A, %get3A_168] {strides = array<i32>} : memref<16x1024xf32, #tpu.memory_space<vmem>>, vector<16xf32>,
        %eq3A_170 = vector.broadcast %select_n3A_152 : i32 to vector<16xi32>
        %eq3A_171 = arith.cmpi eq, %iota3A, %eq3A_170 : vector<16xi32>
        %eq3A_172 = arith.cmpi eq, %scan3A_164, %select_n3A_136 : i32
        %and3A_173 = vector.broadcast %eq3A_172 : i1 to vector<16xi1>
        %and3A_174 = arith.andi %eq3A_171, %and3A_173 : vector<16xi1>
        %broadcast_in_dim3A_175 = vector.broadcast %scan3A : f32 to vector<16xf32>
        %select_n3A_176 = arith.select %and3A_174, %broadcast_in_dim3A_175, %get3A_169 : vector<16xi1>, vector<16xf32>
        %sort3A = arith.constant dense<true> : vector<16xi1>
        %sort3A_177, %sort3A_178, %sort3A_179 = tpu.sort %select_n3A_176, %select_n3A_176 masked %sort3A : (vector<16xf32>, vector<16xf32>, vector<16xi1>) -> (vector<16xi1>, vector<16xf32>, vector<16xf32>)
        %rev3A = arith.constant 15 : i32
        %rev3A_180 = vector.broadcast %rev3A : i32 to vector<16xi32>
        %rev3A_181 = tpu.iota {dimensions = array<i32: 0>} : vector<16xi32>
        %rev3A_182 = arith.subi %rev3A_180, %rev3A_181 : vector<16xi32>
        %rev3A_183 = tpu.dynamic_gather %scan3A_165[%rev3A_182] in [0] : vector<16xf32>, vector<16xi32> -> vector<16xf32>
        %min3A = arith.minimumf %sort3A_178, %rev3A_183 : vector<16xf32>
        %sort3A_184 = arith.constant dense<true> : vector<16xi1>
        %sort3A_185, %sort3A_186, %sort3A_187 = tpu.sort %min3A, %min3A masked %sort3A_184 : (vector<16xf32>, vector<16xf32>, vector<16xi1>) -> (vector<16xi1>, vector<16xf32>, vector<16xf32>)
        scf.yield %sort3A_186 : vector<16xf32>
      }
      %scan3A_159 = arith.constant 64 : i32
      %eq3A_160 = vector.broadcast %scan3A_104 : i32 to vector<16xi32>
      %eq3A_161 = arith.cmpi eq, %iota3A, %eq3A_160 : vector<16xi32>
      %slice3A = vector.extract_strided_slice %scan3A_158 {offsets = [15], sizes = [1], strides = [1]} : vector<16xf32> to vector<1xf32>
      %squeeze3A = vector.extract %slice3A[0] : f32 from vector<1xf32>
      %broadcast_in_dim3A_162 = vector.broadcast %squeeze3A : f32 to vector<16xf32>
      %select_n3A_163 = arith.select %eq3A_161, %broadcast_in_dim3A_162, %scan3A_105 : vector<16xi1>, vector<16xf32>
      scf.yield %select_n3A_163 : vector<16xf32>
    }
    %scan3A_11 = arith.constant 16 : i32
    %swap3A = arith.constant 0 : index
    %swap3A_12 = tpu.vector_load %arg5[%swap3A] {strides = array<i32>} : memref<16xf32, #tpu.memory_space<vmem>>, vector<16xf32>,
    tpu.vector_store %arg5[%swap3A], %scan3A_10 {strides = array<i32>} : memref<16xf32, #tpu.memory_space<vmem>>, vector<16xf32>,
    "tpu.region"() ({
      %run_scoped3A = tpu.sem_alloc : memref<!tpu.dma_semaphore, #tpu.memory_space<semaphore_mem>>
      %dma_start3A = tpu.memref_slice %arg3[%add3A_4] : memref<4096xf32, #tpu.memory_space<hbm>> -> memref<16xf32, #tpu.memory_space<hbm>>
      %dma_start3A_104 = tpu.memref_slice %arg3[%add3A_4] : memref<4096xf32, #tpu.memory_space<hbm>> -> memref<16xf32, #tpu.memory_space<hbm>>
      tpu.enqueue_dma source(%arg5 : memref<16xf32, #tpu.memory_space<vmem>>) target(%dma_start3A_104 : memref<16xf32, #tpu.memory_space<hbm>>) target_semaphore(%run_scoped3A : memref<!tpu.dma_semaphore, #tpu.memory_space<semaphore_mem>>)
      %dma_wait3A = tpu.memref_slice %arg3[%add3A_4] : memref<4096xf32, #tpu.memory_space<hbm>> -> memref<16xf32, #tpu.memory_space<hbm>>
      %dma_wait3A_105 = tpu.memref_slice %arg3[%add3A_4] : memref<4096xf32, #tpu.memory_space<hbm>> -> memref<16xf32, #tpu.memory_space<hbm>>
      tpu.wait_dma2 semaphore(%run_scoped3A : memref<!tpu.dma_semaphore, #tpu.memory_space<semaphore_mem>>) src(%arg5 : memref<16xf32, #tpu.memory_space<vmem>>) dst(%dma_wait3A_105 : memref<16xf32, #tpu.memory_space<hbm>>)
      tpu.yield
    }) : () -> ()
    %add3A_13 = arith.constant 16 : i32
    %add3A_14 = arith.addi %mul3A_2, %add3A_13 : i32
    "tpu.region"() ({
      %run_scoped3A = tpu.sem_alloc : memref<!tpu.dma_semaphore, #tpu.memory_space<semaphore_mem>>
      %dma_start3A = arith.constant 0 : i32
      %dma_start3A_104 = tpu.memref_slice %arg2[%add3A_14, %dma_start3A] : memref<4096x1024xf32, #tpu.memory_space<hbm>> -> memref<16x1024xf32, #tpu.memory_space<hbm>>
      %dma_start3A_105 = arith.constant 0 : i32
      %dma_start3A_106 = tpu.memref_slice %arg2[%add3A_14, %dma_start3A_105] : memref<4096x1024xf32, #tpu.memory_space<hbm>> -> memref<16x1024xf32, #tpu.memory_space<hbm>>
      tpu.enqueue_dma source(%dma_start3A_106 : memref<16x1024xf32, #tpu.memory_space<hbm>>) target(%arg4 : memref<16x1024xf32, #tpu.memory_space<vmem>>) target_semaphore(%run_scoped3A : memref<!tpu.dma_semaphore, #tpu.memory_space<semaphore_mem>>)
      %dma_wait3A = arith.constant 0 : i32
      %dma_wait3A_107 = tpu.memref_slice %arg2[%add3A_14, %dma_wait3A] : memref<4096x1024xf32, #tpu.memory_space<hbm>> -> memref<16x1024xf32, #tpu.memory_space<hbm>>
      %dma_wait3A_108 = arith.constant 0 : i32
      %dma_wait3A_109 = tpu.memref_slice %arg2[%add3A_14, %dma_wait3A_108] : memref<4096x1024xf32, #tpu.memory_space<hbm>> -> memref<16x1024xf32, #tpu.memory_space<hbm>>
      tpu.wait_dma2 semaphore(%run_scoped3A : memref<!tpu.dma_semaphore, #tpu.memory_space<semaphore_mem>>) src(%dma_wait3A_109 : memref<16x1024xf32, #tpu.memory_space<hbm>>) dst(%arg4 : memref<16x1024xf32, #tpu.memory_space<vmem>>)
      tpu.yield
    }) : () -> ()
    %broadcast_in_dim3A_15 = arith.constant 0.000000e+00 : f32
    %broadcast_in_dim3A_16 = vector.broadcast %broadcast_in_dim3A_15 : f32 to vector<16xf32>
    %scan3A_17 = arith.constant 3.000000e+38 : f32
    %scan3A_18 = arith.constant 0 : i32
    %scan3A_19 = arith.constant 16 : i32
    %scan3A_20 = arith.addi %scan3A_18, %scan3A_19 : i32
    %scan3A_21 = arith.constant 1 : i32
    %scan3A_22 = scf.for %scan3A_104 = %scan3A_18 to %scan3A_20 step %scan3A_21 iter_args(%scan3A_105 = %broadcast_in_dim3A_16) -> (vector<16xf32>)  : i32 {
      %add3A_106 = arith.addi %add3A_14, %scan3A_104 : i32
      %jit3A = arith.constant 1024 : i32
      %eq3A = arith.constant 0 : i32
      %eq3A_107 = arith.cmpi eq, %jit3A, %eq3A : i32
      %jit3A_108 = arith.constant 1 : i32
      %select_n3A = arith.select %eq3A_107, %jit3A_108, %jit3A : i32
      %rem3A = arith.remsi %add3A_106, %select_n3A : i32
      %ne3A = arith.constant 0 : i32
      %ne3A_109 = arith.cmpi ne, %rem3A, %ne3A : i32
      %lt3A = arith.constant 0 : i32
      %lt3A_110 = arith.cmpi slt, %rem3A, %lt3A : i32
      %lt3A_111 = arith.constant 0 : i32
      %lt3A_112 = arith.cmpi slt, %select_n3A, %lt3A_111 : i32
      %ne3A_113 = arith.xori %lt3A_110, %lt3A_112 : i1
      %and3A = arith.andi %ne3A_113, %ne3A_109 : i1
      %add3A_114 = arith.addi %rem3A, %select_n3A : i32
      %select_n3A_115 = arith.select %and3A, %add3A_114, %rem3A : i32
      %jit3A_116 = arith.constant 16 : i32
      %div3A = arith.divsi %select_n3A_115, %jit3A_116 : i32
      %sign3A = arith.constant 0 : i32
      %sign3A_117 = arith.cmpi sgt, %select_n3A_115, %sign3A : i32
      %sign3A_118 = arith.extui %sign3A_117 : i1 to i32
      %sign3A_119 = arith.constant 0 : i32
      %sign3A_120 = arith.cmpi slt, %select_n3A_115, %sign3A_119 : i32
      %sign3A_121 = arith.extui %sign3A_120 : i1 to i32
      %sign3A_122 = arith.subi %sign3A_118, %sign3A_121 : i32
      %sign3A_123 = arith.constant 0 : i32
      %sign3A_124 = arith.cmpi sgt, %jit3A_116, %sign3A_123 : i32
      %sign3A_125 = arith.extui %sign3A_124 : i1 to i32
      %sign3A_126 = arith.constant 0 : i32
      %sign3A_127 = arith.cmpi slt, %jit3A_116, %sign3A_126 : i32
      %sign3A_128 = arith.extui %sign3A_127 : i1 to i32
      %sign3A_129 = arith.subi %sign3A_125, %sign3A_128 : i32
      %ne3A_130 = arith.cmpi ne, %sign3A_122, %sign3A_129 : i32
      %rem3A_131 = arith.remsi %select_n3A_115, %jit3A_116 : i32
      %ne3A_132 = arith.constant 0 : i32
      %ne3A_133 = arith.cmpi ne, %rem3A_131, %ne3A_132 : i32
      %and3A_134 = arith.andi %ne3A_130, %ne3A_133 : i1
      %sub3A = arith.constant 1 : i32
      %sub3A_135 = arith.subi %div3A, %sub3A : i32
      %select_n3A_136 = arith.select %and3A_134, %sub3A_135, %div3A : i32
      %jit3A_137 = arith.constant 16 : i32
      %eq3A_138 = arith.constant 0 : i32
      %eq3A_139 = arith.cmpi eq, %jit3A_137, %eq3A_138 : i32
      %jit3A_140 = arith.constant 1 : i32
      %select_n3A_141 = arith.select %eq3A_139, %jit3A_140, %jit3A_137 : i32
      %rem3A_142 = arith.remsi %select_n3A_115, %select_n3A_141 : i32
      %ne3A_143 = arith.constant 0 : i32
      %ne3A_144 = arith.cmpi ne, %rem3A_142, %ne3A_143 : i32
      %lt3A_145 = arith.constant 0 : i32
      %lt3A_146 = arith.cmpi slt, %rem3A_142, %lt3A_145 : i32
      %lt3A_147 = arith.constant 0 : i32
      %lt3A_148 = arith.cmpi slt, %select_n3A_141, %lt3A_147 : i32
      %ne3A_149 = arith.xori %lt3A_146, %lt3A_148 : i1
      %and3A_150 = arith.andi %ne3A_149, %ne3A_144 : i1
      %add3A_151 = arith.addi %rem3A_142, %select_n3A_141 : i32
      %select_n3A_152 = arith.select %and3A_150, %add3A_151, %rem3A_142 : i32
      %broadcast_in_dim3A_153 = vector.broadcast %scan3A_17 : f32 to vector<16xf32>
      %scan3A_154 = arith.constant 0 : i32
      %scan3A_155 = arith.constant 64 : i32
      %scan3A_156 = arith.addi %scan3A_154, %scan3A_155 : i32
      %scan3A_157 = arith.constant 1 : i32
      %scan3A_158 = scf.for %scan3A_164 = %scan3A_154 to %scan3A_156 step %scan3A_157 iter_args(%scan3A_165 = %broadcast_in_dim3A_153) -> (vector<16xf32>)  : i32 {
        %mul3A_166 = arith.constant 16 : i32
        %mul3A_167 = arith.muli %scan3A_164, %mul3A_166 : i32
        %get3A = arith.index_cast %scan3A_104 : i32 to index
        %get3A_168 = arith.index_cast %mul3A_167 : i32 to index
        %get3A_169 = tpu.vector_load %arg4[%get3A, %get3A_168] {strides = array<i32>} : memref<16x1024xf32, #tpu.memory_space<vmem>>, vector<16xf32>,
        %eq3A_170 = vector.broadcast %select_n3A_152 : i32 to vector<16xi32>
        %eq3A_171 = arith.cmpi eq, %iota3A, %eq3A_170 : vector<16xi32>
        %eq3A_172 = arith.cmpi eq, %scan3A_164, %select_n3A_136 : i32
        %and3A_173 = vector.broadcast %eq3A_172 : i1 to vector<16xi1>
        %and3A_174 = arith.andi %eq3A_171, %and3A_173 : vector<16xi1>
        %broadcast_in_dim3A_175 = vector.broadcast %scan3A_17 : f32 to vector<16xf32>
        %select_n3A_176 = arith.select %and3A_174, %broadcast_in_dim3A_175, %get3A_169 : vector<16xi1>, vector<16xf32>
        %sort3A = arith.constant dense<true> : vector<16xi1>
        %sort3A_177, %sort3A_178, %sort3A_179 = tpu.sort %select_n3A_176, %select_n3A_176 masked %sort3A : (vector<16xf32>, vector<16xf32>, vector<16xi1>) -> (vector<16xi1>, vector<16xf32>, vector<16xf32>)
        %rev3A = arith.constant 15 : i32
        %rev3A_180 = vector.broadcast %rev3A : i32 to vector<16xi32>
        %rev3A_181 = tpu.iota {dimensions = array<i32: 0>} : vector<16xi32>
        %rev3A_182 = arith.subi %rev3A_180, %rev3A_181 : vector<16xi32>
        %rev3A_183 = tpu.dynamic_gather %scan3A_165[%rev3A_182] in [0] : vector<16xf32>, vector<16xi32> -> vector<16xf32>
        %min3A = arith.minimumf %sort3A_178, %rev3A_183 : vector<16xf32>
        %sort3A_184 = arith.constant dense<true> : vector<16xi1>
        %sort3A_185, %sort3A_186, %sort3A_187 = tpu.sort %min3A, %min3A masked %sort3A_184 : (vector<16xf32>, vector<16xf32>, vector<16xi1>) -> (vector<16xi1>, vector<16xf32>, vector<16xf32>)
        scf.yield %sort3A_186 : vector<16xf32>
      }
      %scan3A_159 = arith.constant 64 : i32
      %eq3A_160 = vector.broadcast %scan3A_104 : i32 to vector<16xi32>
      %eq3A_161 = arith.cmpi eq, %iota3A, %eq3A_160 : vector<16xi32>
      %slice3A = vector.extract_strided_slice %scan3A_158 {offsets = [15], sizes = [1], strides = [1]} : vector<16xf32> to vector<1xf32>
      %squeeze3A = vector.extract %slice3A[0] : f32 from vector<1xf32>
      %broadcast_in_dim3A_162 = vector.broadcast %squeeze3A : f32 to vector<16xf32>
      %select_n3A_163 = arith.select %eq3A_161, %broadcast_in_dim3A_162, %scan3A_105 : vector<16xi1>, vector<16xf32>
      scf.yield %select_n3A_163 : vector<16xf32>
    }
    %scan3A_23 = arith.constant 16 : i32
    %swap3A_24 = arith.constant 0 : index
    %swap3A_25 = tpu.vector_load %arg5[%swap3A_24] {strides = array<i32>} : memref<16xf32, #tpu.memory_space<vmem>>, vector<16xf32>,
    tpu.vector_store %arg5[%swap3A_24], %scan3A_22 {strides = array<i32>} : memref<16xf32, #tpu.memory_space<vmem>>, vector<16xf32>,
    "tpu.region"() ({
      %run_scoped3A = tpu.sem_alloc : memref<!tpu.dma_semaphore, #tpu.memory_space<semaphore_mem>>
      %dma_start3A = tpu.memref_slice %arg3[%add3A_14] : memref<4096xf32, #tpu.memory_space<hbm>> -> memref<16xf32, #tpu.memory_space<hbm>>
      %dma_start3A_104 = tpu.memref_slice %arg3[%add3A_14] : memref<4096xf32, #tpu.memory_space<hbm>> -> memref<16xf32, #tpu.memory_space<hbm>>
      tpu.enqueue_dma source(%arg5 : memref<16xf32, #tpu.memory_space<vmem>>) target(%dma_start3A_104 : memref<16xf32, #tpu.memory_space<hbm>>) target_semaphore(%run_scoped3A : memref<!tpu.dma_semaphore, #tpu.memory_space<semaphore_mem>>)
      %dma_wait3A = tpu.memref_slice %arg3[%add3A_14] : memref<4096xf32, #tpu.memory_space<hbm>> -> memref<16xf32, #tpu.memory_space<hbm>>
      %dma_wait3A_105 = tpu.memref_slice %arg3[%add3A_14] : memref<4096xf32, #tpu.memory_space<hbm>> -> memref<16xf32, #tpu.memory_space<hbm>>
      tpu.wait_dma2 semaphore(%run_scoped3A : memref<!tpu.dma_semaphore, #tpu.memory_space<semaphore_mem>>) src(%arg5 : memref<16xf32, #tpu.memory_space<vmem>>) dst(%dma_wait3A_105 : memref<16xf32, #tpu.memory_space<hbm>>)
      tpu.yield
    }) : () -> ()
    %add3A_26 = arith.constant 32 : i32
    %add3A_27 = arith.addi %mul3A_2, %add3A_26 : i32
    "tpu.region"() ({
      %run_scoped3A = tpu.sem_alloc : memref<!tpu.dma_semaphore, #tpu.memory_space<semaphore_mem>>
      %dma_start3A = arith.constant 0 : i32
      %dma_start3A_104 = tpu.memref_slice %arg2[%add3A_27, %dma_start3A] : memref<4096x1024xf32, #tpu.memory_space<hbm>> -> memref<16x1024xf32, #tpu.memory_space<hbm>>
      %dma_start3A_105 = arith.constant 0 : i32
      %dma_start3A_106 = tpu.memref_slice %arg2[%add3A_27, %dma_start3A_105] : memref<4096x1024xf32, #tpu.memory_space<hbm>> -> memref<16x1024xf32, #tpu.memory_space<hbm>>
      tpu.enqueue_dma source(%dma_start3A_106 : memref<16x1024xf32, #tpu.memory_space<hbm>>) target(%arg4 : memref<16x1024xf32, #tpu.memory_space<vmem>>) target_semaphore(%run_scoped3A : memref<!tpu.dma_semaphore, #tpu.memory_space<semaphore_mem>>)
      %dma_wait3A = arith.constant 0 : i32
      %dma_wait3A_107 = tpu.memref_slice %arg2[%add3A_27, %dma_wait3A] : memref<4096x1024xf32, #tpu.memory_space<hbm>> -> memref<16x1024xf32, #tpu.memory_space<hbm>>
      %dma_wait3A_108 = arith.constant 0 : i32
      %dma_wait3A_109 = tpu.memref_slice %arg2[%add3A_27, %dma_wait3A_108] : memref<4096x1024xf32, #tpu.memory_space<hbm>> -> memref<16x1024xf32, #tpu.memory_space<hbm>>
      tpu.wait_dma2 semaphore(%run_scoped3A : memref<!tpu.dma_semaphore, #tpu.memory_space<semaphore_mem>>) src(%dma_wait3A_109 : memref<16x1024xf32, #tpu.memory_space<hbm>>) dst(%arg4 : memref<16x1024xf32, #tpu.memory_space<vmem>>)
      tpu.yield
    }) : () -> ()
    %broadcast_in_dim3A_28 = arith.constant 0.000000e+00 : f32
    %broadcast_in_dim3A_29 = vector.broadcast %broadcast_in_dim3A_28 : f32 to vector<16xf32>
    %scan3A_30 = arith.constant 3.000000e+38 : f32
    %scan3A_31 = arith.constant 0 : i32
    %scan3A_32 = arith.constant 16 : i32
    %scan3A_33 = arith.addi %scan3A_31, %scan3A_32 : i32
    %scan3A_34 = arith.constant 1 : i32
    %scan3A_35 = scf.for %scan3A_104 = %scan3A_31 to %scan3A_33 step %scan3A_34 iter_args(%scan3A_105 = %broadcast_in_dim3A_29) -> (vector<16xf32>)  : i32 {
      %add3A_106 = arith.addi %add3A_27, %scan3A_104 : i32
      %jit3A = arith.constant 1024 : i32
      %eq3A = arith.constant 0 : i32
      %eq3A_107 = arith.cmpi eq, %jit3A, %eq3A : i32
      %jit3A_108 = arith.constant 1 : i32
      %select_n3A = arith.select %eq3A_107, %jit3A_108, %jit3A : i32
      %rem3A = arith.remsi %add3A_106, %select_n3A : i32
      %ne3A = arith.constant 0 : i32
      %ne3A_109 = arith.cmpi ne, %rem3A, %ne3A : i32
      %lt3A = arith.constant 0 : i32
      %lt3A_110 = arith.cmpi slt, %rem3A, %lt3A : i32
      %lt3A_111 = arith.constant 0 : i32
      %lt3A_112 = arith.cmpi slt, %select_n3A, %lt3A_111 : i32
      %ne3A_113 = arith.xori %lt3A_110, %lt3A_112 : i1
      %and3A = arith.andi %ne3A_113, %ne3A_109 : i1
      %add3A_114 = arith.addi %rem3A, %select_n3A : i32
      %select_n3A_115 = arith.select %and3A, %add3A_114, %rem3A : i32
      %jit3A_116 = arith.constant 16 : i32
      %div3A = arith.divsi %select_n3A_115, %jit3A_116 : i32
      %sign3A = arith.constant 0 : i32
      %sign3A_117 = arith.cmpi sgt, %select_n3A_115, %sign3A : i32
      %sign3A_118 = arith.extui %sign3A_117 : i1 to i32
      %sign3A_119 = arith.constant 0 : i32
      %sign3A_120 = arith.cmpi slt, %select_n3A_115, %sign3A_119 : i32
      %sign3A_121 = arith.extui %sign3A_120 : i1 to i32
      %sign3A_122 = arith.subi %sign3A_118, %sign3A_121 : i32
      %sign3A_123 = arith.constant 0 : i32
      %sign3A_124 = arith.cmpi sgt, %jit3A_116, %sign3A_123 : i32
      %sign3A_125 = arith.extui %sign3A_124 : i1 to i32
      %sign3A_126 = arith.constant 0 : i32
      %sign3A_127 = arith.cmpi slt, %jit3A_116, %sign3A_126 : i32
      %sign3A_128 = arith.extui %sign3A_127 : i1 to i32
      %sign3A_129 = arith.subi %sign3A_125, %sign3A_128 : i32
      %ne3A_130 = arith.cmpi ne, %sign3A_122, %sign3A_129 : i32
      %rem3A_131 = arith.remsi %select_n3A_115, %jit3A_116 : i32
      %ne3A_132 = arith.constant 0 : i32
      %ne3A_133 = arith.cmpi ne, %rem3A_131, %ne3A_132 : i32
      %and3A_134 = arith.andi %ne3A_130, %ne3A_133 : i1
      %sub3A = arith.constant 1 : i32
      %sub3A_135 = arith.subi %div3A, %sub3A : i32
      %select_n3A_136 = arith.select %and3A_134, %sub3A_135, %div3A : i32
      %jit3A_137 = arith.constant 16 : i32
      %eq3A_138 = arith.constant 0 : i32
      %eq3A_139 = arith.cmpi eq, %jit3A_137, %eq3A_138 : i32
      %jit3A_140 = arith.constant 1 : i32
      %select_n3A_141 = arith.select %eq3A_139, %jit3A_140, %jit3A_137 : i32
      %rem3A_142 = arith.remsi %select_n3A_115, %select_n3A_141 : i32
      %ne3A_143 = arith.constant 0 : i32
      %ne3A_144 = arith.cmpi ne, %rem3A_142, %ne3A_143 : i32
      %lt3A_145 = arith.constant 0 : i32
      %lt3A_146 = arith.cmpi slt, %rem3A_142, %lt3A_145 : i32
      %lt3A_147 = arith.constant 0 : i32
      %lt3A_148 = arith.cmpi slt, %select_n3A_141, %lt3A_147 : i32
      %ne3A_149 = arith.xori %lt3A_146, %lt3A_148 : i1
      %and3A_150 = arith.andi %ne3A_149, %ne3A_144 : i1
      %add3A_151 = arith.addi %rem3A_142, %select_n3A_141 : i32
      %select_n3A_152 = arith.select %and3A_150, %add3A_151, %rem3A_142 : i32
      %broadcast_in_dim3A_153 = vector.broadcast %scan3A_30 : f32 to vector<16xf32>
      %scan3A_154 = arith.constant 0 : i32
      %scan3A_155 = arith.constant 64 : i32
      %scan3A_156 = arith.addi %scan3A_154, %scan3A_155 : i32
      %scan3A_157 = arith.constant 1 : i32
      %scan3A_158 = scf.for %scan3A_164 = %scan3A_154 to %scan3A_156 step %scan3A_157 iter_args(%scan3A_165 = %broadcast_in_dim3A_153) -> (vector<16xf32>)  : i32 {
        %mul3A_166 = arith.constant 16 : i32
        %mul3A_167 = arith.muli %scan3A_164, %mul3A_166 : i32
        %get3A = arith.index_cast %scan3A_104 : i32 to index
        %get3A_168 = arith.index_cast %mul3A_167 : i32 to index
        %get3A_169 = tpu.vector_load %arg4[%get3A, %get3A_168] {strides = array<i32>} : memref<16x1024xf32, #tpu.memory_space<vmem>>, vector<16xf32>,
        %eq3A_170 = vector.broadcast %select_n3A_152 : i32 to vector<16xi32>
        %eq3A_171 = arith.cmpi eq, %iota3A, %eq3A_170 : vector<16xi32>
        %eq3A_172 = arith.cmpi eq, %scan3A_164, %select_n3A_136 : i32
        %and3A_173 = vector.broadcast %eq3A_172 : i1 to vector<16xi1>
        %and3A_174 = arith.andi %eq3A_171, %and3A_173 : vector<16xi1>
        %broadcast_in_dim3A_175 = vector.broadcast %scan3A_30 : f32 to vector<16xf32>
        %select_n3A_176 = arith.select %and3A_174, %broadcast_in_dim3A_175, %get3A_169 : vector<16xi1>, vector<16xf32>
        %sort3A = arith.constant dense<true> : vector<16xi1>
        %sort3A_177, %sort3A_178, %sort3A_179 = tpu.sort %select_n3A_176, %select_n3A_176 masked %sort3A : (vector<16xf32>, vector<16xf32>, vector<16xi1>) -> (vector<16xi1>, vector<16xf32>, vector<16xf32>)
        %rev3A = arith.constant 15 : i32
        %rev3A_180 = vector.broadcast %rev3A : i32 to vector<16xi32>
        %rev3A_181 = tpu.iota {dimensions = array<i32: 0>} : vector<16xi32>
        %rev3A_182 = arith.subi %rev3A_180, %rev3A_181 : vector<16xi32>
        %rev3A_183 = tpu.dynamic_gather %scan3A_165[%rev3A_182] in [0] : vector<16xf32>, vector<16xi32> -> vector<16xf32>
        %min3A = arith.minimumf %sort3A_178, %rev3A_183 : vector<16xf32>
        %sort3A_184 = arith.constant dense<true> : vector<16xi1>
        %sort3A_185, %sort3A_186, %sort3A_187 = tpu.sort %min3A, %min3A masked %sort3A_184 : (vector<16xf32>, vector<16xf32>, vector<16xi1>) -> (vector<16xi1>, vector<16xf32>, vector<16xf32>)
        scf.yield %sort3A_186 : vector<16xf32>
      }
      %scan3A_159 = arith.constant 64 : i32
      %eq3A_160 = vector.broadcast %scan3A_104 : i32 to vector<16xi32>
      %eq3A_161 = arith.cmpi eq, %iota3A, %eq3A_160 : vector<16xi32>
      %slice3A = vector.extract_strided_slice %scan3A_158 {offsets = [15], sizes = [1], strides = [1]} : vector<16xf32> to vector<1xf32>
      %squeeze3A = vector.extract %slice3A[0] : f32 from vector<1xf32>
      %broadcast_in_dim3A_162 = vector.broadcast %squeeze3A : f32 to vector<16xf32>
      %select_n3A_163 = arith.select %eq3A_161, %broadcast_in_dim3A_162, %scan3A_105 : vector<16xi1>, vector<16xf32>
      scf.yield %select_n3A_163 : vector<16xf32>
    }
    %scan3A_36 = arith.constant 16 : i32
    %swap3A_37 = arith.constant 0 : index
    %swap3A_38 = tpu.vector_load %arg5[%swap3A_37] {strides = array<i32>} : memref<16xf32, #tpu.memory_space<vmem>>, vector<16xf32>,
    tpu.vector_store %arg5[%swap3A_37], %scan3A_35 {strides = array<i32>} : memref<16xf32, #tpu.memory_space<vmem>>, vector<16xf32>,
    "tpu.region"() ({
      %run_scoped3A = tpu.sem_alloc : memref<!tpu.dma_semaphore, #tpu.memory_space<semaphore_mem>>
      %dma_start3A = tpu.memref_slice %arg3[%add3A_27] : memref<4096xf32, #tpu.memory_space<hbm>> -> memref<16xf32, #tpu.memory_space<hbm>>
      %dma_start3A_104 = tpu.memref_slice %arg3[%add3A_27] : memref<4096xf32, #tpu.memory_space<hbm>> -> memref<16xf32, #tpu.memory_space<hbm>>
      tpu.enqueue_dma source(%arg5 : memref<16xf32, #tpu.memory_space<vmem>>) target(%dma_start3A_104 : memref<16xf32, #tpu.memory_space<hbm>>) target_semaphore(%run_scoped3A : memref<!tpu.dma_semaphore, #tpu.memory_space<semaphore_mem>>)
      %dma_wait3A = tpu.memref_slice %arg3[%add3A_27] : memref<4096xf32, #tpu.memory_space<hbm>> -> memref<16xf32, #tpu.memory_space<hbm>>
      %dma_wait3A_105 = tpu.memref_slice %arg3[%add3A_27] : memref<4096xf32, #tpu.memory_space<hbm>> -> memref<16xf32, #tpu.memory_space<hbm>>
      tpu.wait_dma2 semaphore(%run_scoped3A : memref<!tpu.dma_semaphore, #tpu.memory_space<semaphore_mem>>) src(%arg5 : memref<16xf32, #tpu.memory_space<vmem>>) dst(%dma_wait3A_105 : memref<16xf32, #tpu.memory_space<hbm>>)
      tpu.yield
    }) : () -> ()
    %add3A_39 = arith.constant 48 : i32
    %add3A_40 = arith.addi %mul3A_2, %add3A_39 : i32
    "tpu.region"() ({
      %run_scoped3A = tpu.sem_alloc : memref<!tpu.dma_semaphore, #tpu.memory_space<semaphore_mem>>
      %dma_start3A = arith.constant 0 : i32
      %dma_start3A_104 = tpu.memref_slice %arg2[%add3A_40, %dma_start3A] : memref<4096x1024xf32, #tpu.memory_space<hbm>> -> memref<16x1024xf32, #tpu.memory_space<hbm>>
      %dma_start3A_105 = arith.constant 0 : i32
      %dma_start3A_106 = tpu.memref_slice %arg2[%add3A_40, %dma_start3A_105] : memref<4096x1024xf32, #tpu.memory_space<hbm>> -> memref<16x1024xf32, #tpu.memory_space<hbm>>
      tpu.enqueue_dma source(%dma_start3A_106 : memref<16x1024xf32, #tpu.memory_space<hbm>>) target(%arg4 : memref<16x1024xf32, #tpu.memory_space<vmem>>) target_semaphore(%run_scoped3A : memref<!tpu.dma_semaphore, #tpu.memory_space<semaphore_mem>>)
      %dma_wait3A = arith.constant 0 : i32
      %dma_wait3A_107 = tpu.memref_slice %arg2[%add3A_40, %dma_wait3A] : memref<4096x1024xf32, #tpu.memory_space<hbm>> -> memref<16x1024xf32, #tpu.memory_space<hbm>>
      %dma_wait3A_108 = arith.constant 0 : i32
      %dma_wait3A_109 = tpu.memref_slice %arg2[%add3A_40, %dma_wait3A_108] : memref<4096x1024xf32, #tpu.memory_space<hbm>> -> memref<16x1024xf32, #tpu.memory_space<hbm>>
      tpu.wait_dma2 semaphore(%run_scoped3A : memref<!tpu.dma_semaphore, #tpu.memory_space<semaphore_mem>>) src(%dma_wait3A_109 : memref<16x1024xf32, #tpu.memory_space<hbm>>) dst(%arg4 : memref<16x1024xf32, #tpu.memory_space<vmem>>)
      tpu.yield
    }) : () -> ()
    %broadcast_in_dim3A_41 = arith.constant 0.000000e+00 : f32
    %broadcast_in_dim3A_42 = vector.broadcast %broadcast_in_dim3A_41 : f32 to vector<16xf32>
    %scan3A_43 = arith.constant 3.000000e+38 : f32
    %scan3A_44 = arith.constant 0 : i32
    %scan3A_45 = arith.constant 16 : i32
    %scan3A_46 = arith.addi %scan3A_44, %scan3A_45 : i32
    %scan3A_47 = arith.constant 1 : i32
    %scan3A_48 = scf.for %scan3A_104 = %scan3A_44 to %scan3A_46 step %scan3A_47 iter_args(%scan3A_105 = %broadcast_in_dim3A_42) -> (vector<16xf32>)  : i32 {
      %add3A_106 = arith.addi %add3A_40, %scan3A_104 : i32
      %jit3A = arith.constant 1024 : i32
      %eq3A = arith.constant 0 : i32
      %eq3A_107 = arith.cmpi eq, %jit3A, %eq3A : i32
      %jit3A_108 = arith.constant 1 : i32
      %select_n3A = arith.select %eq3A_107, %jit3A_108, %jit3A : i32
      %rem3A = arith.remsi %add3A_106, %select_n3A : i32
      %ne3A = arith.constant 0 : i32
      %ne3A_109 = arith.cmpi ne, %rem3A, %ne3A : i32
      %lt3A = arith.constant 0 : i32
      %lt3A_110 = arith.cmpi slt, %rem3A, %lt3A : i32
      %lt3A_111 = arith.constant 0 : i32
      %lt3A_112 = arith.cmpi slt, %select_n3A, %lt3A_111 : i32
      %ne3A_113 = arith.xori %lt3A_110, %lt3A_112 : i1
      %and3A = arith.andi %ne3A_113, %ne3A_109 : i1
      %add3A_114 = arith.addi %rem3A, %select_n3A : i32
      %select_n3A_115 = arith.select %and3A, %add3A_114, %rem3A : i32
      %jit3A_116 = arith.constant 16 : i32
      %div3A = arith.divsi %select_n3A_115, %jit3A_116 : i32
      %sign3A = arith.constant 0 : i32
      %sign3A_117 = arith.cmpi sgt, %select_n3A_115, %sign3A : i32
      %sign3A_118 = arith.extui %sign3A_117 : i1 to i32
      %sign3A_119 = arith.constant 0 : i32
      %sign3A_120 = arith.cmpi slt, %select_n3A_115, %sign3A_119 : i32
      %sign3A_121 = arith.extui %sign3A_120 : i1 to i32
      %sign3A_122 = arith.subi %sign3A_118, %sign3A_121 : i32
      %sign3A_123 = arith.constant 0 : i32
      %sign3A_124 = arith.cmpi sgt, %jit3A_116, %sign3A_123 : i32
      %sign3A_125 = arith.extui %sign3A_124 : i1 to i32
      %sign3A_126 = arith.constant 0 : i32
      %sign3A_127 = arith.cmpi slt, %jit3A_116, %sign3A_126 : i32
      %sign3A_128 = arith.extui %sign3A_127 : i1 to i32
      %sign3A_129 = arith.subi %sign3A_125, %sign3A_128 : i32
      %ne3A_130 = arith.cmpi ne, %sign3A_122, %sign3A_129 : i32
      %rem3A_131 = arith.remsi %select_n3A_115, %jit3A_116 : i32
      %ne3A_132 = arith.constant 0 : i32
      %ne3A_133 = arith.cmpi ne, %rem3A_131, %ne3A_132 : i32
      %and3A_134 = arith.andi %ne3A_130, %ne3A_133 : i1
      %sub3A = arith.constant 1 : i32
      %sub3A_135 = arith.subi %div3A, %sub3A : i32
      %select_n3A_136 = arith.select %and3A_134, %sub3A_135, %div3A : i32
      %jit3A_137 = arith.constant 16 : i32
      %eq3A_138 = arith.constant 0 : i32
      %eq3A_139 = arith.cmpi eq, %jit3A_137, %eq3A_138 : i32
      %jit3A_140 = arith.constant 1 : i32
      %select_n3A_141 = arith.select %eq3A_139, %jit3A_140, %jit3A_137 : i32
      %rem3A_142 = arith.remsi %select_n3A_115, %select_n3A_141 : i32
      %ne3A_143 = arith.constant 0 : i32
      %ne3A_144 = arith.cmpi ne, %rem3A_142, %ne3A_143 : i32
      %lt3A_145 = arith.constant 0 : i32
      %lt3A_146 = arith.cmpi slt, %rem3A_142, %lt3A_145 : i32
      %lt3A_147 = arith.constant 0 : i32
      %lt3A_148 = arith.cmpi slt, %select_n3A_141, %lt3A_147 : i32
      %ne3A_149 = arith.xori %lt3A_146, %lt3A_148 : i1
      %and3A_150 = arith.andi %ne3A_149, %ne3A_144 : i1
      %add3A_151 = arith.addi %rem3A_142, %select_n3A_141 : i32
      %select_n3A_152 = arith.select %and3A_150, %add3A_151, %rem3A_142 : i32
      %broadcast_in_dim3A_153 = vector.broadcast %scan3A_43 : f32 to vector<16xf32>
      %scan3A_154 = arith.constant 0 : i32
      %scan3A_155 = arith.constant 64 : i32
      %scan3A_156 = arith.addi %scan3A_154, %scan3A_155 : i32
      %scan3A_157 = arith.constant 1 : i32
      %scan3A_158 = scf.for %scan3A_164 = %scan3A_154 to %scan3A_156 step %scan3A_157 iter_args(%scan3A_165 = %broadcast_in_dim3A_153) -> (vector<16xf32>)  : i32 {
        %mul3A_166 = arith.constant 16 : i32
        %mul3A_167 = arith.muli %scan3A_164, %mul3A_166 : i32
        %get3A = arith.index_cast %scan3A_104 : i32 to index
        %get3A_168 = arith.index_cast %mul3A_167 : i32 to index
        %get3A_169 = tpu.vector_load %arg4[%get3A, %get3A_168] {strides = array<i32>} : memref<16x1024xf32, #tpu.memory_space<vmem>>, vector<16xf32>,
        %eq3A_170 = vector.broadcast %select_n3A_152 : i32 to vector<16xi32>
        %eq3A_171 = arith.cmpi eq, %iota3A, %eq3A_170 : vector<16xi32>
        %eq3A_172 = arith.cmpi eq, %scan3A_164, %select_n3A_136 : i32
        %and3A_173 = vector.broadcast %eq3A_172 : i1 to vector<16xi1>
        %and3A_174 = arith.andi %eq3A_171, %and3A_173 : vector<16xi1>
        %broadcast_in_dim3A_175 = vector.broadcast %scan3A_43 : f32 to vector<16xf32>
        %select_n3A_176 = arith.select %and3A_174, %broadcast_in_dim3A_175, %get3A_169 : vector<16xi1>, vector<16xf32>
        %sort3A = arith.constant dense<true> : vector<16xi1>
        %sort3A_177, %sort3A_178, %sort3A_179 = tpu.sort %select_n3A_176, %select_n3A_176 masked %sort3A : (vector<16xf32>, vector<16xf32>, vector<16xi1>) -> (vector<16xi1>, vector<16xf32>, vector<16xf32>)
        %rev3A = arith.constant 15 : i32
        %rev3A_180 = vector.broadcast %rev3A : i32 to vector<16xi32>
        %rev3A_181 = tpu.iota {dimensions = array<i32: 0>} : vector<16xi32>
        %rev3A_182 = arith.subi %rev3A_180, %rev3A_181 : vector<16xi32>
        %rev3A_183 = tpu.dynamic_gather %scan3A_165[%rev3A_182] in [0] : vector<16xf32>, vector<16xi32> -> vector<16xf32>
        %min3A = arith.minimumf %sort3A_178, %rev3A_183 : vector<16xf32>
        %sort3A_184 = arith.constant dense<true> : vector<16xi1>
        %sort3A_185, %sort3A_186, %sort3A_187 = tpu.sort %min3A, %min3A masked %sort3A_184 : (vector<16xf32>, vector<16xf32>, vector<16xi1>) -> (vector<16xi1>, vector<16xf32>, vector<16xf32>)
        scf.yield %sort3A_186 : vector<16xf32>
      }
      %scan3A_159 = arith.constant 64 : i32
      %eq3A_160 = vector.broadcast %scan3A_104 : i32 to vector<16xi32>
      %eq3A_161 = arith.cmpi eq, %iota3A, %eq3A_160 : vector<16xi32>
      %slice3A = vector.extract_strided_slice %scan3A_158 {offsets = [15], sizes = [1], strides = [1]} : vector<16xf32> to vector<1xf32>
      %squeeze3A = vector.extract %slice3A[0] : f32 from vector<1xf32>
      %broadcast_in_dim3A_162 = vector.broadcast %squeeze3A : f32 to vector<16xf32>
      %select_n3A_163 = arith.select %eq3A_161, %broadcast_in_dim3A_162, %scan3A_105 : vector<16xi1>, vector<16xf32>
      scf.yield %select_n3A_163 : vector<16xf32>
    }
    %scan3A_49 = arith.constant 16 : i32
    %swap3A_50 = arith.constant 0 : index
    %swap3A_51 = tpu.vector_load %arg5[%swap3A_50] {strides = array<i32>} : memref<16xf32, #tpu.memory_space<vmem>>, vector<16xf32>,
    tpu.vector_store %arg5[%swap3A_50], %scan3A_48 {strides = array<i32>} : memref<16xf32, #tpu.memory_space<vmem>>, vector<16xf32>,
    "tpu.region"() ({
      %run_scoped3A = tpu.sem_alloc : memref<!tpu.dma_semaphore, #tpu.memory_space<semaphore_mem>>
      %dma_start3A = tpu.memref_slice %arg3[%add3A_40] : memref<4096xf32, #tpu.memory_space<hbm>> -> memref<16xf32, #tpu.memory_space<hbm>>
      %dma_start3A_104 = tpu.memref_slice %arg3[%add3A_40] : memref<4096xf32, #tpu.memory_space<hbm>> -> memref<16xf32, #tpu.memory_space<hbm>>
      tpu.enqueue_dma source(%arg5 : memref<16xf32, #tpu.memory_space<vmem>>) target(%dma_start3A_104 : memref<16xf32, #tpu.memory_space<hbm>>) target_semaphore(%run_scoped3A : memref<!tpu.dma_semaphore, #tpu.memory_space<semaphore_mem>>)
      %dma_wait3A = tpu.memref_slice %arg3[%add3A_40] : memref<4096xf32, #tpu.memory_space<hbm>> -> memref<16xf32, #tpu.memory_space<hbm>>
      %dma_wait3A_105 = tpu.memref_slice %arg3[%add3A_40] : memref<4096xf32, #tpu.memory_space<hbm>> -> memref<16xf32, #tpu.memory_space<hbm>>
      tpu.wait_dma2 semaphore(%run_scoped3A : memref<!tpu.dma_semaphore, #tpu.memory_space<semaphore_mem>>) src(%arg5 : memref<16xf32, #tpu.memory_space<vmem>>) dst(%dma_wait3A_105 : memref<16xf32, #tpu.memory_space<hbm>>)
      tpu.yield
    }) : () -> ()
    %add3A_52 = arith.constant 64 : i32
    %add3A_53 = arith.addi %mul3A_2, %add3A_52 : i32
    "tpu.region"() ({
      %run_scoped3A = tpu.sem_alloc : memref<!tpu.dma_semaphore, #tpu.memory_space<semaphore_mem>>
      %dma_start3A = arith.constant 0 : i32
      %dma_start3A_104 = tpu.memref_slice %arg2[%add3A_53, %dma_start3A] : memref<4096x1024xf32, #tpu.memory_space<hbm>> -> memref<16x1024xf32, #tpu.memory_space<hbm>>
      %dma_start3A_105 = arith.constant 0 : i32
      %dma_start3A_106 = tpu.memref_slice %arg2[%add3A_53, %dma_start3A_105] : memref<4096x1024xf32, #tpu.memory_space<hbm>> -> memref<16x1024xf32, #tpu.memory_space<hbm>>
      tpu.enqueue_dma source(%dma_start3A_106 : memref<16x1024xf32, #tpu.memory_space<hbm>>) target(%arg4 : memref<16x1024xf32, #tpu.memory_space<vmem>>) target_semaphore(%run_scoped3A : memref<!tpu.dma_semaphore, #tpu.memory_space<semaphore_mem>>)
      %dma_wait3A = arith.constant 0 : i32
      %dma_wait3A_107 = tpu.memref_slice %arg2[%add3A_53, %dma_wait3A] : memref<4096x1024xf32, #tpu.memory_space<hbm>> -> memref<16x1024xf32, #tpu.memory_space<hbm>>
      %dma_wait3A_108 = arith.constant 0 : i32
      %dma_wait3A_109 = tpu.memref_slice %arg2[%add3A_53, %dma_wait3A_108] : memref<4096x1024xf32, #tpu.memory_space<hbm>> -> memref<16x1024xf32, #tpu.memory_space<hbm>>
      tpu.wait_dma2 semaphore(%run_scoped3A : memref<!tpu.dma_semaphore, #tpu.memory_space<semaphore_mem>>) src(%dma_wait3A_109 : memref<16x1024xf32, #tpu.memory_space<hbm>>) dst(%arg4 : memref<16x1024xf32, #tpu.memory_space<vmem>>)
      tpu.yield
    }) : () -> ()
    %broadcast_in_dim3A_54 = arith.constant 0.000000e+00 : f32
    %broadcast_in_dim3A_55 = vector.broadcast %broadcast_in_dim3A_54 : f32 to vector<16xf32>
    %scan3A_56 = arith.constant 3.000000e+38 : f32
    %scan3A_57 = arith.constant 0 : i32
    %scan3A_58 = arith.constant 16 : i32
    %scan3A_59 = arith.addi %scan3A_57, %scan3A_58 : i32
    %scan3A_60 = arith.constant 1 : i32
    %scan3A_61 = scf.for %scan3A_104 = %scan3A_57 to %scan3A_59 step %scan3A_60 iter_args(%scan3A_105 = %broadcast_in_dim3A_55) -> (vector<16xf32>)  : i32 {
      %add3A_106 = arith.addi %add3A_53, %scan3A_104 : i32
      %jit3A = arith.constant 1024 : i32
      %eq3A = arith.constant 0 : i32
      %eq3A_107 = arith.cmpi eq, %jit3A, %eq3A : i32
      %jit3A_108 = arith.constant 1 : i32
      %select_n3A = arith.select %eq3A_107, %jit3A_108, %jit3A : i32
      %rem3A = arith.remsi %add3A_106, %select_n3A : i32
      %ne3A = arith.constant 0 : i32
      %ne3A_109 = arith.cmpi ne, %rem3A, %ne3A : i32
      %lt3A = arith.constant 0 : i32
      %lt3A_110 = arith.cmpi slt, %rem3A, %lt3A : i32
      %lt3A_111 = arith.constant 0 : i32
      %lt3A_112 = arith.cmpi slt, %select_n3A, %lt3A_111 : i32
      %ne3A_113 = arith.xori %lt3A_110, %lt3A_112 : i1
      %and3A = arith.andi %ne3A_113, %ne3A_109 : i1
      %add3A_114 = arith.addi %rem3A, %select_n3A : i32
      %select_n3A_115 = arith.select %and3A, %add3A_114, %rem3A : i32
      %jit3A_116 = arith.constant 16 : i32
      %div3A = arith.divsi %select_n3A_115, %jit3A_116 : i32
      %sign3A = arith.constant 0 : i32
      %sign3A_117 = arith.cmpi sgt, %select_n3A_115, %sign3A : i32
      %sign3A_118 = arith.extui %sign3A_117 : i1 to i32
      %sign3A_119 = arith.constant 0 : i32
      %sign3A_120 = arith.cmpi slt, %select_n3A_115, %sign3A_119 : i32
      %sign3A_121 = arith.extui %sign3A_120 : i1 to i32
      %sign3A_122 = arith.subi %sign3A_118, %sign3A_121 : i32
      %sign3A_123 = arith.constant 0 : i32
      %sign3A_124 = arith.cmpi sgt, %jit3A_116, %sign3A_123 : i32
      %sign3A_125 = arith.extui %sign3A_124 : i1 to i32
      %sign3A_126 = arith.constant 0 : i32
      %sign3A_127 = arith.cmpi slt, %jit3A_116, %sign3A_126 : i32
      %sign3A_128 = arith.extui %sign3A_127 : i1 to i32
      %sign3A_129 = arith.subi %sign3A_125, %sign3A_128 : i32
      %ne3A_130 = arith.cmpi ne, %sign3A_122, %sign3A_129 : i32
      %rem3A_131 = arith.remsi %select_n3A_115, %jit3A_116 : i32
      %ne3A_132 = arith.constant 0 : i32
      %ne3A_133 = arith.cmpi ne, %rem3A_131, %ne3A_132 : i32
      %and3A_134 = arith.andi %ne3A_130, %ne3A_133 : i1
      %sub3A = arith.constant 1 : i32
      %sub3A_135 = arith.subi %div3A, %sub3A : i32
      %select_n3A_136 = arith.select %and3A_134, %sub3A_135, %div3A : i32
      %jit3A_137 = arith.constant 16 : i32
      %eq3A_138 = arith.constant 0 : i32
      %eq3A_139 = arith.cmpi eq, %jit3A_137, %eq3A_138 : i32
      %jit3A_140 = arith.constant 1 : i32
      %select_n3A_141 = arith.select %eq3A_139, %jit3A_140, %jit3A_137 : i32
      %rem3A_142 = arith.remsi %select_n3A_115, %select_n3A_141 : i32
      %ne3A_143 = arith.constant 0 : i32
      %ne3A_144 = arith.cmpi ne, %rem3A_142, %ne3A_143 : i32
      %lt3A_145 = arith.constant 0 : i32
      %lt3A_146 = arith.cmpi slt, %rem3A_142, %lt3A_145 : i32
      %lt3A_147 = arith.constant 0 : i32
      %lt3A_148 = arith.cmpi slt, %select_n3A_141, %lt3A_147 : i32
      %ne3A_149 = arith.xori %lt3A_146, %lt3A_148 : i1
      %and3A_150 = arith.andi %ne3A_149, %ne3A_144 : i1
      %add3A_151 = arith.addi %rem3A_142, %select_n3A_141 : i32
      %select_n3A_152 = arith.select %and3A_150, %add3A_151, %rem3A_142 : i32
      %broadcast_in_dim3A_153 = vector.broadcast %scan3A_56 : f32 to vector<16xf32>
      %scan3A_154 = arith.constant 0 : i32
      %scan3A_155 = arith.constant 64 : i32
      %scan3A_156 = arith.addi %scan3A_154, %scan3A_155 : i32
      %scan3A_157 = arith.constant 1 : i32
      %scan3A_158 = scf.for %scan3A_164 = %scan3A_154 to %scan3A_156 step %scan3A_157 iter_args(%scan3A_165 = %broadcast_in_dim3A_153) -> (vector<16xf32>)  : i32 {
        %mul3A_166 = arith.constant 16 : i32
        %mul3A_167 = arith.muli %scan3A_164, %mul3A_166 : i32
        %get3A = arith.index_cast %scan3A_104 : i32 to index
        %get3A_168 = arith.index_cast %mul3A_167 : i32 to index
        %get3A_169 = tpu.vector_load %arg4[%get3A, %get3A_168] {strides = array<i32>} : memref<16x1024xf32, #tpu.memory_space<vmem>>, vector<16xf32>,
        %eq3A_170 = vector.broadcast %select_n3A_152 : i32 to vector<16xi32>
        %eq3A_171 = arith.cmpi eq, %iota3A, %eq3A_170 : vector<16xi32>
        %eq3A_172 = arith.cmpi eq, %scan3A_164, %select_n3A_136 : i32
        %and3A_173 = vector.broadcast %eq3A_172 : i1 to vector<16xi1>
        %and3A_174 = arith.andi %eq3A_171, %and3A_173 : vector<16xi1>
        %broadcast_in_dim3A_175 = vector.broadcast %scan3A_56 : f32 to vector<16xf32>
        %select_n3A_176 = arith.select %and3A_174, %broadcast_in_dim3A_175, %get3A_169 : vector<16xi1>, vector<16xf32>
        %sort3A = arith.constant dense<true> : vector<16xi1>
        %sort3A_177, %sort3A_178, %sort3A_179 = tpu.sort %select_n3A_176, %select_n3A_176 masked %sort3A : (vector<16xf32>, vector<16xf32>, vector<16xi1>) -> (vector<16xi1>, vector<16xf32>, vector<16xf32>)
        %rev3A = arith.constant 15 : i32
        %rev3A_180 = vector.broadcast %rev3A : i32 to vector<16xi32>
        %rev3A_181 = tpu.iota {dimensions = array<i32: 0>} : vector<16xi32>
        %rev3A_182 = arith.subi %rev3A_180, %rev3A_181 : vector<16xi32>
        %rev3A_183 = tpu.dynamic_gather %scan3A_165[%rev3A_182] in [0] : vector<16xf32>, vector<16xi32> -> vector<16xf32>
        %min3A = arith.minimumf %sort3A_178, %rev3A_183 : vector<16xf32>
        %sort3A_184 = arith.constant dense<true> : vector<16xi1>
        %sort3A_185, %sort3A_186, %sort3A_187 = tpu.sort %min3A, %min3A masked %sort3A_184 : (vector<16xf32>, vector<16xf32>, vector<16xi1>) -> (vector<16xi1>, vector<16xf32>, vector<16xf32>)
        scf.yield %sort3A_186 : vector<16xf32>
      }
      %scan3A_159 = arith.constant 64 : i32
      %eq3A_160 = vector.broadcast %scan3A_104 : i32 to vector<16xi32>
      %eq3A_161 = arith.cmpi eq, %iota3A, %eq3A_160 : vector<16xi32>
      %slice3A = vector.extract_strided_slice %scan3A_158 {offsets = [15], sizes = [1], strides = [1]} : vector<16xf32> to vector<1xf32>
      %squeeze3A = vector.extract %slice3A[0] : f32 from vector<1xf32>
      %broadcast_in_dim3A_162 = vector.broadcast %squeeze3A : f32 to vector<16xf32>
      %select_n3A_163 = arith.select %eq3A_161, %broadcast_in_dim3A_162, %scan3A_105 : vector<16xi1>, vector<16xf32>
      scf.yield %select_n3A_163 : vector<16xf32>
    }
    %scan3A_62 = arith.constant 16 : i32
    %swap3A_63 = arith.constant 0 : index
    %swap3A_64 = tpu.vector_load %arg5[%swap3A_63] {strides = array<i32>} : memref<16xf32, #tpu.memory_space<vmem>>, vector<16xf32>,
    tpu.vector_store %arg5[%swap3A_63], %scan3A_61 {strides = array<i32>} : memref<16xf32, #tpu.memory_space<vmem>>, vector<16xf32>,
    "tpu.region"() ({
      %run_scoped3A = tpu.sem_alloc : memref<!tpu.dma_semaphore, #tpu.memory_space<semaphore_mem>>
      %dma_start3A = tpu.memref_slice %arg3[%add3A_53] : memref<4096xf32, #tpu.memory_space<hbm>> -> memref<16xf32, #tpu.memory_space<hbm>>
      %dma_start3A_104 = tpu.memref_slice %arg3[%add3A_53] : memref<4096xf32, #tpu.memory_space<hbm>> -> memref<16xf32, #tpu.memory_space<hbm>>
      tpu.enqueue_dma source(%arg5 : memref<16xf32, #tpu.memory_space<vmem>>) target(%dma_start3A_104 : memref<16xf32, #tpu.memory_space<hbm>>) target_semaphore(%run_scoped3A : memref<!tpu.dma_semaphore, #tpu.memory_space<semaphore_mem>>)
      %dma_wait3A = tpu.memref_slice %arg3[%add3A_53] : memref<4096xf32, #tpu.memory_space<hbm>> -> memref<16xf32, #tpu.memory_space<hbm>>
      %dma_wait3A_105 = tpu.memref_slice %arg3[%add3A_53] : memref<4096xf32, #tpu.memory_space<hbm>> -> memref<16xf32, #tpu.memory_space<hbm>>
      tpu.wait_dma2 semaphore(%run_scoped3A : memref<!tpu.dma_semaphore, #tpu.memory_space<semaphore_mem>>) src(%arg5 : memref<16xf32, #tpu.memory_space<vmem>>) dst(%dma_wait3A_105 : memref<16xf32, #tpu.memory_space<hbm>>)
      tpu.yield
    }) : () -> ()
    %add3A_65 = arith.constant 80 : i32
    %add3A_66 = arith.addi %mul3A_2, %add3A_65 : i32
    "tpu.region"() ({
      %run_scoped3A = tpu.sem_alloc : memref<!tpu.dma_semaphore, #tpu.memory_space<semaphore_mem>>
      %dma_start3A = arith.constant 0 : i32
      %dma_start3A_104 = tpu.memref_slice %arg2[%add3A_66, %dma_start3A] : memref<4096x1024xf32, #tpu.memory_space<hbm>> -> memref<16x1024xf32, #tpu.memory_space<hbm>>
      %dma_start3A_105 = arith.constant 0 : i32
      %dma_start3A_106 = tpu.memref_slice %arg2[%add3A_66, %dma_start3A_105] : memref<4096x1024xf32, #tpu.memory_space<hbm>> -> memref<16x1024xf32, #tpu.memory_space<hbm>>
      tpu.enqueue_dma source(%dma_start3A_106 : memref<16x1024xf32, #tpu.memory_space<hbm>>) target(%arg4 : memref<16x1024xf32, #tpu.memory_space<vmem>>) target_semaphore(%run_scoped3A : memref<!tpu.dma_semaphore, #tpu.memory_space<semaphore_mem>>)
      %dma_wait3A = arith.constant 0 : i32
      %dma_wait3A_107 = tpu.memref_slice %arg2[%add3A_66, %dma_wait3A] : memref<4096x1024xf32, #tpu.memory_space<hbm>> -> memref<16x1024xf32, #tpu.memory_space<hbm>>
      %dma_wait3A_108 = arith.constant 0 : i32
      %dma_wait3A_109 = tpu.memref_slice %arg2[%add3A_66, %dma_wait3A_108] : memref<4096x1024xf32, #tpu.memory_space<hbm>> -> memref<16x1024xf32, #tpu.memory_space<hbm>>
      tpu.wait_dma2 semaphore(%run_scoped3A : memref<!tpu.dma_semaphore, #tpu.memory_space<semaphore_mem>>) src(%dma_wait3A_109 : memref<16x1024xf32, #tpu.memory_space<hbm>>) dst(%arg4 : memref<16x1024xf32, #tpu.memory_space<vmem>>)
      tpu.yield
    }) : () -> ()
    %broadcast_in_dim3A_67 = arith.constant 0.000000e+00 : f32
    %broadcast_in_dim3A_68 = vector.broadcast %broadcast_in_dim3A_67 : f32 to vector<16xf32>
    %scan3A_69 = arith.constant 3.000000e+38 : f32
    %scan3A_70 = arith.constant 0 : i32
    %scan3A_71 = arith.constant 16 : i32
    %scan3A_72 = arith.addi %scan3A_70, %scan3A_71 : i32
    %scan3A_73 = arith.constant 1 : i32
    %scan3A_74 = scf.for %scan3A_104 = %scan3A_70 to %scan3A_72 step %scan3A_73 iter_args(%scan3A_105 = %broadcast_in_dim3A_68) -> (vector<16xf32>)  : i32 {
      %add3A_106 = arith.addi %add3A_66, %scan3A_104 : i32
      %jit3A = arith.constant 1024 : i32
      %eq3A = arith.constant 0 : i32
      %eq3A_107 = arith.cmpi eq, %jit3A, %eq3A : i32
      %jit3A_108 = arith.constant 1 : i32
      %select_n3A = arith.select %eq3A_107, %jit3A_108, %jit3A : i32
      %rem3A = arith.remsi %add3A_106, %select_n3A : i32
      %ne3A = arith.constant 0 : i32
      %ne3A_109 = arith.cmpi ne, %rem3A, %ne3A : i32
      %lt3A = arith.constant 0 : i32
      %lt3A_110 = arith.cmpi slt, %rem3A, %lt3A : i32
      %lt3A_111 = arith.constant 0 : i32
      %lt3A_112 = arith.cmpi slt, %select_n3A, %lt3A_111 : i32
      %ne3A_113 = arith.xori %lt3A_110, %lt3A_112 : i1
      %and3A = arith.andi %ne3A_113, %ne3A_109 : i1
      %add3A_114 = arith.addi %rem3A, %select_n3A : i32
      %select_n3A_115 = arith.select %and3A, %add3A_114, %rem3A : i32
      %jit3A_116 = arith.constant 16 : i32
      %div3A = arith.divsi %select_n3A_115, %jit3A_116 : i32
      %sign3A = arith.constant 0 : i32
      %sign3A_117 = arith.cmpi sgt, %select_n3A_115, %sign3A : i32
      %sign3A_118 = arith.extui %sign3A_117 : i1 to i32
      %sign3A_119 = arith.constant 0 : i32
      %sign3A_120 = arith.cmpi slt, %select_n3A_115, %sign3A_119 : i32
      %sign3A_121 = arith.extui %sign3A_120 : i1 to i32
      %sign3A_122 = arith.subi %sign3A_118, %sign3A_121 : i32
      %sign3A_123 = arith.constant 0 : i32
      %sign3A_124 = arith.cmpi sgt, %jit3A_116, %sign3A_123 : i32
      %sign3A_125 = arith.extui %sign3A_124 : i1 to i32
      %sign3A_126 = arith.constant 0 : i32
      %sign3A_127 = arith.cmpi slt, %jit3A_116, %sign3A_126 : i32
      %sign3A_128 = arith.extui %sign3A_127 : i1 to i32
      %sign3A_129 = arith.subi %sign3A_125, %sign3A_128 : i32
      %ne3A_130 = arith.cmpi ne, %sign3A_122, %sign3A_129 : i32
      %rem3A_131 = arith.remsi %select_n3A_115, %jit3A_116 : i32
      %ne3A_132 = arith.constant 0 : i32
      %ne3A_133 = arith.cmpi ne, %rem3A_131, %ne3A_132 : i32
      %and3A_134 = arith.andi %ne3A_130, %ne3A_133 : i1
      %sub3A = arith.constant 1 : i32
      %sub3A_135 = arith.subi %div3A, %sub3A : i32
      %select_n3A_136 = arith.select %and3A_134, %sub3A_135, %div3A : i32
      %jit3A_137 = arith.constant 16 : i32
      %eq3A_138 = arith.constant 0 : i32
      %eq3A_139 = arith.cmpi eq, %jit3A_137, %eq3A_138 : i32
      %jit3A_140 = arith.constant 1 : i32
      %select_n3A_141 = arith.select %eq3A_139, %jit3A_140, %jit3A_137 : i32
      %rem3A_142 = arith.remsi %select_n3A_115, %select_n3A_141 : i32
      %ne3A_143 = arith.constant 0 : i32
      %ne3A_144 = arith.cmpi ne, %rem3A_142, %ne3A_143 : i32
      %lt3A_145 = arith.constant 0 : i32
      %lt3A_146 = arith.cmpi slt, %rem3A_142, %lt3A_145 : i32
      %lt3A_147 = arith.constant 0 : i32
      %lt3A_148 = arith.cmpi slt, %select_n3A_141, %lt3A_147 : i32
      %ne3A_149 = arith.xori %lt3A_146, %lt3A_148 : i1
      %and3A_150 = arith.andi %ne3A_149, %ne3A_144 : i1
      %add3A_151 = arith.addi %rem3A_142, %select_n3A_141 : i32
      %select_n3A_152 = arith.select %and3A_150, %add3A_151, %rem3A_142 : i32
      %broadcast_in_dim3A_153 = vector.broadcast %scan3A_69 : f32 to vector<16xf32>
      %scan3A_154 = arith.constant 0 : i32
      %scan3A_155 = arith.constant 64 : i32
      %scan3A_156 = arith.addi %scan3A_154, %scan3A_155 : i32
      %scan3A_157 = arith.constant 1 : i32
      %scan3A_158 = scf.for %scan3A_164 = %scan3A_154 to %scan3A_156 step %scan3A_157 iter_args(%scan3A_165 = %broadcast_in_dim3A_153) -> (vector<16xf32>)  : i32 {
        %mul3A_166 = arith.constant 16 : i32
        %mul3A_167 = arith.muli %scan3A_164, %mul3A_166 : i32
        %get3A = arith.index_cast %scan3A_104 : i32 to index
        %get3A_168 = arith.index_cast %mul3A_167 : i32 to index
        %get3A_169 = tpu.vector_load %arg4[%get3A, %get3A_168] {strides = array<i32>} : memref<16x1024xf32, #tpu.memory_space<vmem>>, vector<16xf32>,
        %eq3A_170 = vector.broadcast %select_n3A_152 : i32 to vector<16xi32>
        %eq3A_171 = arith.cmpi eq, %iota3A, %eq3A_170 : vector<16xi32>
        %eq3A_172 = arith.cmpi eq, %scan3A_164, %select_n3A_136 : i32
        %and3A_173 = vector.broadcast %eq3A_172 : i1 to vector<16xi1>
        %and3A_174 = arith.andi %eq3A_171, %and3A_173 : vector<16xi1>
        %broadcast_in_dim3A_175 = vector.broadcast %scan3A_69 : f32 to vector<16xf32>
        %select_n3A_176 = arith.select %and3A_174, %broadcast_in_dim3A_175, %get3A_169 : vector<16xi1>, vector<16xf32>
        %sort3A = arith.constant dense<true> : vector<16xi1>
        %sort3A_177, %sort3A_178, %sort3A_179 = tpu.sort %select_n3A_176, %select_n3A_176 masked %sort3A : (vector<16xf32>, vector<16xf32>, vector<16xi1>) -> (vector<16xi1>, vector<16xf32>, vector<16xf32>)
        %rev3A = arith.constant 15 : i32
        %rev3A_180 = vector.broadcast %rev3A : i32 to vector<16xi32>
        %rev3A_181 = tpu.iota {dimensions = array<i32: 0>} : vector<16xi32>
        %rev3A_182 = arith.subi %rev3A_180, %rev3A_181 : vector<16xi32>
        %rev3A_183 = tpu.dynamic_gather %scan3A_165[%rev3A_182] in [0] : vector<16xf32>, vector<16xi32> -> vector<16xf32>
        %min3A = arith.minimumf %sort3A_178, %rev3A_183 : vector<16xf32>
        %sort3A_184 = arith.constant dense<true> : vector<16xi1>
        %sort3A_185, %sort3A_186, %sort3A_187 = tpu.sort %min3A, %min3A masked %sort3A_184 : (vector<16xf32>, vector<16xf32>, vector<16xi1>) -> (vector<16xi1>, vector<16xf32>, vector<16xf32>)
        scf.yield %sort3A_186 : vector<16xf32>
      }
      %scan3A_159 = arith.constant 64 : i32
      %eq3A_160 = vector.broadcast %scan3A_104 : i32 to vector<16xi32>
      %eq3A_161 = arith.cmpi eq, %iota3A, %eq3A_160 : vector<16xi32>
      %slice3A = vector.extract_strided_slice %scan3A_158 {offsets = [15], sizes = [1], strides = [1]} : vector<16xf32> to vector<1xf32>
      %squeeze3A = vector.extract %slice3A[0] : f32 from vector<1xf32>
      %broadcast_in_dim3A_162 = vector.broadcast %squeeze3A : f32 to vector<16xf32>
      %select_n3A_163 = arith.select %eq3A_161, %broadcast_in_dim3A_162, %scan3A_105 : vector<16xi1>, vector<16xf32>
      scf.yield %select_n3A_163 : vector<16xf32>
    }
    %scan3A_75 = arith.constant 16 : i32
    %swap3A_76 = arith.constant 0 : index
    %swap3A_77 = tpu.vector_load %arg5[%swap3A_76] {strides = array<i32>} : memref<16xf32, #tpu.memory_space<vmem>>, vector<16xf32>,
    tpu.vector_store %arg5[%swap3A_76], %scan3A_74 {strides = array<i32>} : memref<16xf32, #tpu.memory_space<vmem>>, vector<16xf32>,
    "tpu.region"() ({
      %run_scoped3A = tpu.sem_alloc : memref<!tpu.dma_semaphore, #tpu.memory_space<semaphore_mem>>
      %dma_start3A = tpu.memref_slice %arg3[%add3A_66] : memref<4096xf32, #tpu.memory_space<hbm>> -> memref<16xf32, #tpu.memory_space<hbm>>
      %dma_start3A_104 = tpu.memref_slice %arg3[%add3A_66] : memref<4096xf32, #tpu.memory_space<hbm>> -> memref<16xf32, #tpu.memory_space<hbm>>
      tpu.enqueue_dma source(%arg5 : memref<16xf32, #tpu.memory_space<vmem>>) target(%dma_start3A_104 : memref<16xf32, #tpu.memory_space<hbm>>) target_semaphore(%run_scoped3A : memref<!tpu.dma_semaphore, #tpu.memory_space<semaphore_mem>>)
      %dma_wait3A = tpu.memref_slice %arg3[%add3A_66] : memref<4096xf32, #tpu.memory_space<hbm>> -> memref<16xf32, #tpu.memory_space<hbm>>
      %dma_wait3A_105 = tpu.memref_slice %arg3[%add3A_66] : memref<4096xf32, #tpu.memory_space<hbm>> -> memref<16xf32, #tpu.memory_space<hbm>>
      tpu.wait_dma2 semaphore(%run_scoped3A : memref<!tpu.dma_semaphore, #tpu.memory_space<semaphore_mem>>) src(%arg5 : memref<16xf32, #tpu.memory_space<vmem>>) dst(%dma_wait3A_105 : memref<16xf32, #tpu.memory_space<hbm>>)
      tpu.yield
    }) : () -> ()
    %add3A_78 = arith.constant 96 : i32
    %add3A_79 = arith.addi %mul3A_2, %add3A_78 : i32
    "tpu.region"() ({
      %run_scoped3A = tpu.sem_alloc : memref<!tpu.dma_semaphore, #tpu.memory_space<semaphore_mem>>
      %dma_start3A = arith.constant 0 : i32
      %dma_start3A_104 = tpu.memref_slice %arg2[%add3A_79, %dma_start3A] : memref<4096x1024xf32, #tpu.memory_space<hbm>> -> memref<16x1024xf32, #tpu.memory_space<hbm>>
      %dma_start3A_105 = arith.constant 0 : i32
      %dma_start3A_106 = tpu.memref_slice %arg2[%add3A_79, %dma_start3A_105] : memref<4096x1024xf32, #tpu.memory_space<hbm>> -> memref<16x1024xf32, #tpu.memory_space<hbm>>
      tpu.enqueue_dma source(%dma_start3A_106 : memref<16x1024xf32, #tpu.memory_space<hbm>>) target(%arg4 : memref<16x1024xf32, #tpu.memory_space<vmem>>) target_semaphore(%run_scoped3A : memref<!tpu.dma_semaphore, #tpu.memory_space<semaphore_mem>>)
      %dma_wait3A = arith.constant 0 : i32
      %dma_wait3A_107 = tpu.memref_slice %arg2[%add3A_79, %dma_wait3A] : memref<4096x1024xf32, #tpu.memory_space<hbm>> -> memref<16x1024xf32, #tpu.memory_space<hbm>>
      %dma_wait3A_108 = arith.constant 0 : i32
      %dma_wait3A_109 = tpu.memref_slice %arg2[%add3A_79, %dma_wait3A_108] : memref<4096x1024xf32, #tpu.memory_space<hbm>> -> memref<16x1024xf32, #tpu.memory_space<hbm>>
      tpu.wait_dma2 semaphore(%run_scoped3A : memref<!tpu.dma_semaphore, #tpu.memory_space<semaphore_mem>>) src(%dma_wait3A_109 : memref<16x1024xf32, #tpu.memory_space<hbm>>) dst(%arg4 : memref<16x1024xf32, #tpu.memory_space<vmem>>)
      tpu.yield
    }) : () -> ()
    %broadcast_in_dim3A_80 = arith.constant 0.000000e+00 : f32
    %broadcast_in_dim3A_81 = vector.broadcast %broadcast_in_dim3A_80 : f32 to vector<16xf32>
    %scan3A_82 = arith.constant 3.000000e+38 : f32
    %scan3A_83 = arith.constant 0 : i32
    %scan3A_84 = arith.constant 16 : i32
    %scan3A_85 = arith.addi %scan3A_83, %scan3A_84 : i32
    %scan3A_86 = arith.constant 1 : i32
    %scan3A_87 = scf.for %scan3A_104 = %scan3A_83 to %scan3A_85 step %scan3A_86 iter_args(%scan3A_105 = %broadcast_in_dim3A_81) -> (vector<16xf32>)  : i32 {
      %add3A_106 = arith.addi %add3A_79, %scan3A_104 : i32
      %jit3A = arith.constant 1024 : i32
      %eq3A = arith.constant 0 : i32
      %eq3A_107 = arith.cmpi eq, %jit3A, %eq3A : i32
      %jit3A_108 = arith.constant 1 : i32
      %select_n3A = arith.select %eq3A_107, %jit3A_108, %jit3A : i32
      %rem3A = arith.remsi %add3A_106, %select_n3A : i32
      %ne3A = arith.constant 0 : i32
      %ne3A_109 = arith.cmpi ne, %rem3A, %ne3A : i32
      %lt3A = arith.constant 0 : i32
      %lt3A_110 = arith.cmpi slt, %rem3A, %lt3A : i32
      %lt3A_111 = arith.constant 0 : i32
      %lt3A_112 = arith.cmpi slt, %select_n3A, %lt3A_111 : i32
      %ne3A_113 = arith.xori %lt3A_110, %lt3A_112 : i1
      %and3A = arith.andi %ne3A_113, %ne3A_109 : i1
      %add3A_114 = arith.addi %rem3A, %select_n3A : i32
      %select_n3A_115 = arith.select %and3A, %add3A_114, %rem3A : i32
      %jit3A_116 = arith.constant 16 : i32
      %div3A = arith.divsi %select_n3A_115, %jit3A_116 : i32
      %sign3A = arith.constant 0 : i32
      %sign3A_117 = arith.cmpi sgt, %select_n3A_115, %sign3A : i32
      %sign3A_118 = arith.extui %sign3A_117 : i1 to i32
      %sign3A_119 = arith.constant 0 : i32
      %sign3A_120 = arith.cmpi slt, %select_n3A_115, %sign3A_119 : i32
      %sign3A_121 = arith.extui %sign3A_120 : i1 to i32
      %sign3A_122 = arith.subi %sign3A_118, %sign3A_121 : i32
      %sign3A_123 = arith.constant 0 : i32
      %sign3A_124 = arith.cmpi sgt, %jit3A_116, %sign3A_123 : i32
      %sign3A_125 = arith.extui %sign3A_124 : i1 to i32
      %sign3A_126 = arith.constant 0 : i32
      %sign3A_127 = arith.cmpi slt, %jit3A_116, %sign3A_126 : i32
      %sign3A_128 = arith.extui %sign3A_127 : i1 to i32
      %sign3A_129 = arith.subi %sign3A_125, %sign3A_128 : i32
      %ne3A_130 = arith.cmpi ne, %sign3A_122, %sign3A_129 : i32
      %rem3A_131 = arith.remsi %select_n3A_115, %jit3A_116 : i32
      %ne3A_132 = arith.constant 0 : i32
      %ne3A_133 = arith.cmpi ne, %rem3A_131, %ne3A_132 : i32
      %and3A_134 = arith.andi %ne3A_130, %ne3A_133 : i1
      %sub3A = arith.constant 1 : i32
      %sub3A_135 = arith.subi %div3A, %sub3A : i32
      %select_n3A_136 = arith.select %and3A_134, %sub3A_135, %div3A : i32
      %jit3A_137 = arith.constant 16 : i32
      %eq3A_138 = arith.constant 0 : i32
      %eq3A_139 = arith.cmpi eq, %jit3A_137, %eq3A_138 : i32
      %jit3A_140 = arith.constant 1 : i32
      %select_n3A_141 = arith.select %eq3A_139, %jit3A_140, %jit3A_137 : i32
      %rem3A_142 = arith.remsi %select_n3A_115, %select_n3A_141 : i32
      %ne3A_143 = arith.constant 0 : i32
      %ne3A_144 = arith.cmpi ne, %rem3A_142, %ne3A_143 : i32
      %lt3A_145 = arith.constant 0 : i32
      %lt3A_146 = arith.cmpi slt, %rem3A_142, %lt3A_145 : i32
      %lt3A_147 = arith.constant 0 : i32
      %lt3A_148 = arith.cmpi slt, %select_n3A_141, %lt3A_147 : i32
      %ne3A_149 = arith.xori %lt3A_146, %lt3A_148 : i1
      %and3A_150 = arith.andi %ne3A_149, %ne3A_144 : i1
      %add3A_151 = arith.addi %rem3A_142, %select_n3A_141 : i32
      %select_n3A_152 = arith.select %and3A_150, %add3A_151, %rem3A_142 : i32
      %broadcast_in_dim3A_153 = vector.broadcast %scan3A_82 : f32 to vector<16xf32>
      %scan3A_154 = arith.constant 0 : i32
      %scan3A_155 = arith.constant 64 : i32
      %scan3A_156 = arith.addi %scan3A_154, %scan3A_155 : i32
      %scan3A_157 = arith.constant 1 : i32
      %scan3A_158 = scf.for %scan3A_164 = %scan3A_154 to %scan3A_156 step %scan3A_157 iter_args(%scan3A_165 = %broadcast_in_dim3A_153) -> (vector<16xf32>)  : i32 {
        %mul3A_166 = arith.constant 16 : i32
        %mul3A_167 = arith.muli %scan3A_164, %mul3A_166 : i32
        %get3A = arith.index_cast %scan3A_104 : i32 to index
        %get3A_168 = arith.index_cast %mul3A_167 : i32 to index
        %get3A_169 = tpu.vector_load %arg4[%get3A, %get3A_168] {strides = array<i32>} : memref<16x1024xf32, #tpu.memory_space<vmem>>, vector<16xf32>,
        %eq3A_170 = vector.broadcast %select_n3A_152 : i32 to vector<16xi32>
        %eq3A_171 = arith.cmpi eq, %iota3A, %eq3A_170 : vector<16xi32>
        %eq3A_172 = arith.cmpi eq, %scan3A_164, %select_n3A_136 : i32
        %and3A_173 = vector.broadcast %eq3A_172 : i1 to vector<16xi1>
        %and3A_174 = arith.andi %eq3A_171, %and3A_173 : vector<16xi1>
        %broadcast_in_dim3A_175 = vector.broadcast %scan3A_82 : f32 to vector<16xf32>
        %select_n3A_176 = arith.select %and3A_174, %broadcast_in_dim3A_175, %get3A_169 : vector<16xi1>, vector<16xf32>
        %sort3A = arith.constant dense<true> : vector<16xi1>
        %sort3A_177, %sort3A_178, %sort3A_179 = tpu.sort %select_n3A_176, %select_n3A_176 masked %sort3A : (vector<16xf32>, vector<16xf32>, vector<16xi1>) -> (vector<16xi1>, vector<16xf32>, vector<16xf32>)
        %rev3A = arith.constant 15 : i32
        %rev3A_180 = vector.broadcast %rev3A : i32 to vector<16xi32>
        %rev3A_181 = tpu.iota {dimensions = array<i32: 0>} : vector<16xi32>
        %rev3A_182 = arith.subi %rev3A_180, %rev3A_181 : vector<16xi32>
        %rev3A_183 = tpu.dynamic_gather %scan3A_165[%rev3A_182] in [0] : vector<16xf32>, vector<16xi32> -> vector<16xf32>
        %min3A = arith.minimumf %sort3A_178, %rev3A_183 : vector<16xf32>
        %sort3A_184 = arith.constant dense<true> : vector<16xi1>
        %sort3A_185, %sort3A_186, %sort3A_187 = tpu.sort %min3A, %min3A masked %sort3A_184 : (vector<16xf32>, vector<16xf32>, vector<16xi1>) -> (vector<16xi1>, vector<16xf32>, vector<16xf32>)
        scf.yield %sort3A_186 : vector<16xf32>
      }
      %scan3A_159 = arith.constant 64 : i32
      %eq3A_160 = vector.broadcast %scan3A_104 : i32 to vector<16xi32>
      %eq3A_161 = arith.cmpi eq, %iota3A, %eq3A_160 : vector<16xi32>
      %slice3A = vector.extract_strided_slice %scan3A_158 {offsets = [15], sizes = [1], strides = [1]} : vector<16xf32> to vector<1xf32>
      %squeeze3A = vector.extract %slice3A[0] : f32 from vector<1xf32>
      %broadcast_in_dim3A_162 = vector.broadcast %squeeze3A : f32 to vector<16xf32>
      %select_n3A_163 = arith.select %eq3A_161, %broadcast_in_dim3A_162, %scan3A_105 : vector<16xi1>, vector<16xf32>
      scf.yield %select_n3A_163 : vector<16xf32>
    }
    %scan3A_88 = arith.constant 16 : i32
    %swap3A_89 = arith.constant 0 : index
    %swap3A_90 = tpu.vector_load %arg5[%swap3A_89] {strides = array<i32>} : memref<16xf32, #tpu.memory_space<vmem>>, vector<16xf32>,
    tpu.vector_store %arg5[%swap3A_89], %scan3A_87 {strides = array<i32>} : memref<16xf32, #tpu.memory_space<vmem>>, vector<16xf32>,
    "tpu.region"() ({
      %run_scoped3A = tpu.sem_alloc : memref<!tpu.dma_semaphore, #tpu.memory_space<semaphore_mem>>
      %dma_start3A = tpu.memref_slice %arg3[%add3A_79] : memref<4096xf32, #tpu.memory_space<hbm>> -> memref<16xf32, #tpu.memory_space<hbm>>
      %dma_start3A_104 = tpu.memref_slice %arg3[%add3A_79] : memref<4096xf32, #tpu.memory_space<hbm>> -> memref<16xf32, #tpu.memory_space<hbm>>
      tpu.enqueue_dma source(%arg5 : memref<16xf32, #tpu.memory_space<vmem>>) target(%dma_start3A_104 : memref<16xf32, #tpu.memory_space<hbm>>) target_semaphore(%run_scoped3A : memref<!tpu.dma_semaphore, #tpu.memory_space<semaphore_mem>>)
      %dma_wait3A = tpu.memref_slice %arg3[%add3A_79] : memref<4096xf32, #tpu.memory_space<hbm>> -> memref<16xf32, #tpu.memory_space<hbm>>
      %dma_wait3A_105 = tpu.memref_slice %arg3[%add3A_79] : memref<4096xf32, #tpu.memory_space<hbm>> -> memref<16xf32, #tpu.memory_space<hbm>>
      tpu.wait_dma2 semaphore(%run_scoped3A : memref<!tpu.dma_semaphore, #tpu.memory_space<semaphore_mem>>) src(%arg5 : memref<16xf32, #tpu.memory_space<vmem>>) dst(%dma_wait3A_105 : memref<16xf32, #tpu.memory_space<hbm>>)
      tpu.yield
    }) : () -> ()
    %add3A_91 = arith.constant 112 : i32
    %add3A_92 = arith.addi %mul3A_2, %add3A_91 : i32
    "tpu.region"() ({
      %run_scoped3A = tpu.sem_alloc : memref<!tpu.dma_semaphore, #tpu.memory_space<semaphore_mem>>
      %dma_start3A = arith.constant 0 : i32
      %dma_start3A_104 = tpu.memref_slice %arg2[%add3A_92, %dma_start3A] : memref<4096x1024xf32, #tpu.memory_space<hbm>> -> memref<16x1024xf32, #tpu.memory_space<hbm>>
      %dma_start3A_105 = arith.constant 0 : i32
      %dma_start3A_106 = tpu.memref_slice %arg2[%add3A_92, %dma_start3A_105] : memref<4096x1024xf32, #tpu.memory_space<hbm>> -> memref<16x1024xf32, #tpu.memory_space<hbm>>
      tpu.enqueue_dma source(%dma_start3A_106 : memref<16x1024xf32, #tpu.memory_space<hbm>>) target(%arg4 : memref<16x1024xf32, #tpu.memory_space<vmem>>) target_semaphore(%run_scoped3A : memref<!tpu.dma_semaphore, #tpu.memory_space<semaphore_mem>>)
      %dma_wait3A = arith.constant 0 : i32
      %dma_wait3A_107 = tpu.memref_slice %arg2[%add3A_92, %dma_wait3A] : memref<4096x1024xf32, #tpu.memory_space<hbm>> -> memref<16x1024xf32, #tpu.memory_space<hbm>>
      %dma_wait3A_108 = arith.constant 0 : i32
      %dma_wait3A_109 = tpu.memref_slice %arg2[%add3A_92, %dma_wait3A_108] : memref<4096x1024xf32, #tpu.memory_space<hbm>> -> memref<16x1024xf32, #tpu.memory_space<hbm>>
      tpu.wait_dma2 semaphore(%run_scoped3A : memref<!tpu.dma_semaphore, #tpu.memory_space<semaphore_mem>>) src(%dma_wait3A_109 : memref<16x1024xf32, #tpu.memory_space<hbm>>) dst(%arg4 : memref<16x1024xf32, #tpu.memory_space<vmem>>)
      tpu.yield
    }) : () -> ()
    %broadcast_in_dim3A_93 = arith.constant 0.000000e+00 : f32
    %broadcast_in_dim3A_94 = vector.broadcast %broadcast_in_dim3A_93 : f32 to vector<16xf32>
    %scan3A_95 = arith.constant 3.000000e+38 : f32
    %scan3A_96 = arith.constant 0 : i32
    %scan3A_97 = arith.constant 16 : i32
    %scan3A_98 = arith.addi %scan3A_96, %scan3A_97 : i32
    %scan3A_99 = arith.constant 1 : i32
    %scan3A_100 = scf.for %scan3A_104 = %scan3A_96 to %scan3A_98 step %scan3A_99 iter_args(%scan3A_105 = %broadcast_in_dim3A_94) -> (vector<16xf32>)  : i32 {
      %add3A_106 = arith.addi %add3A_92, %scan3A_104 : i32
      %jit3A = arith.constant 1024 : i32
      %eq3A = arith.constant 0 : i32
      %eq3A_107 = arith.cmpi eq, %jit3A, %eq3A : i32
      %jit3A_108 = arith.constant 1 : i32
      %select_n3A = arith.select %eq3A_107, %jit3A_108, %jit3A : i32
      %rem3A = arith.remsi %add3A_106, %select_n3A : i32
      %ne3A = arith.constant 0 : i32
      %ne3A_109 = arith.cmpi ne, %rem3A, %ne3A : i32
      %lt3A = arith.constant 0 : i32
      %lt3A_110 = arith.cmpi slt, %rem3A, %lt3A : i32
      %lt3A_111 = arith.constant 0 : i32
      %lt3A_112 = arith.cmpi slt, %select_n3A, %lt3A_111 : i32
      %ne3A_113 = arith.xori %lt3A_110, %lt3A_112 : i1
      %and3A = arith.andi %ne3A_113, %ne3A_109 : i1
      %add3A_114 = arith.addi %rem3A, %select_n3A : i32
      %select_n3A_115 = arith.select %and3A, %add3A_114, %rem3A : i32
      %jit3A_116 = arith.constant 16 : i32
      %div3A = arith.divsi %select_n3A_115, %jit3A_116 : i32
      %sign3A = arith.constant 0 : i32
      %sign3A_117 = arith.cmpi sgt, %select_n3A_115, %sign3A : i32
      %sign3A_118 = arith.extui %sign3A_117 : i1 to i32
      %sign3A_119 = arith.constant 0 : i32
      %sign3A_120 = arith.cmpi slt, %select_n3A_115, %sign3A_119 : i32
      %sign3A_121 = arith.extui %sign3A_120 : i1 to i32
      %sign3A_122 = arith.subi %sign3A_118, %sign3A_121 : i32
      %sign3A_123 = arith.constant 0 : i32
      %sign3A_124 = arith.cmpi sgt, %jit3A_116, %sign3A_123 : i32
      %sign3A_125 = arith.extui %sign3A_124 : i1 to i32
      %sign3A_126 = arith.constant 0 : i32
      %sign3A_127 = arith.cmpi slt, %jit3A_116, %sign3A_126 : i32
      %sign3A_128 = arith.extui %sign3A_127 : i1 to i32
      %sign3A_129 = arith.subi %sign3A_125, %sign3A_128 : i32
      %ne3A_130 = arith.cmpi ne, %sign3A_122, %sign3A_129 : i32
      %rem3A_131 = arith.remsi %select_n3A_115, %jit3A_116 : i32
      %ne3A_132 = arith.constant 0 : i32
      %ne3A_133 = arith.cmpi ne, %rem3A_131, %ne3A_132 : i32
      %and3A_134 = arith.andi %ne3A_130, %ne3A_133 : i1
      %sub3A = arith.constant 1 : i32
      %sub3A_135 = arith.subi %div3A, %sub3A : i32
      %select_n3A_136 = arith.select %and3A_134, %sub3A_135, %div3A : i32
      %jit3A_137 = arith.constant 16 : i32
      %eq3A_138 = arith.constant 0 : i32
      %eq3A_139 = arith.cmpi eq, %jit3A_137, %eq3A_138 : i32
      %jit3A_140 = arith.constant 1 : i32
      %select_n3A_141 = arith.select %eq3A_139, %jit3A_140, %jit3A_137 : i32
      %rem3A_142 = arith.remsi %select_n3A_115, %select_n3A_141 : i32
      %ne3A_143 = arith.constant 0 : i32
      %ne3A_144 = arith.cmpi ne, %rem3A_142, %ne3A_143 : i32
      %lt3A_145 = arith.constant 0 : i32
      %lt3A_146 = arith.cmpi slt, %rem3A_142, %lt3A_145 : i32
      %lt3A_147 = arith.constant 0 : i32
      %lt3A_148 = arith.cmpi slt, %select_n3A_141, %lt3A_147 : i32
      %ne3A_149 = arith.xori %lt3A_146, %lt3A_148 : i1
      %and3A_150 = arith.andi %ne3A_149, %ne3A_144 : i1
      %add3A_151 = arith.addi %rem3A_142, %select_n3A_141 : i32
      %select_n3A_152 = arith.select %and3A_150, %add3A_151, %rem3A_142 : i32
      %broadcast_in_dim3A_153 = vector.broadcast %scan3A_95 : f32 to vector<16xf32>
      %scan3A_154 = arith.constant 0 : i32
      %scan3A_155 = arith.constant 64 : i32
      %scan3A_156 = arith.addi %scan3A_154, %scan3A_155 : i32
      %scan3A_157 = arith.constant 1 : i32
      %scan3A_158 = scf.for %scan3A_164 = %scan3A_154 to %scan3A_156 step %scan3A_157 iter_args(%scan3A_165 = %broadcast_in_dim3A_153) -> (vector<16xf32>)  : i32 {
        %mul3A_166 = arith.constant 16 : i32
        %mul3A_167 = arith.muli %scan3A_164, %mul3A_166 : i32
        %get3A = arith.index_cast %scan3A_104 : i32 to index
        %get3A_168 = arith.index_cast %mul3A_167 : i32 to index
        %get3A_169 = tpu.vector_load %arg4[%get3A, %get3A_168] {strides = array<i32>} : memref<16x1024xf32, #tpu.memory_space<vmem>>, vector<16xf32>,
        %eq3A_170 = vector.broadcast %select_n3A_152 : i32 to vector<16xi32>
        %eq3A_171 = arith.cmpi eq, %iota3A, %eq3A_170 : vector<16xi32>
        %eq3A_172 = arith.cmpi eq, %scan3A_164, %select_n3A_136 : i32
        %and3A_173 = vector.broadcast %eq3A_172 : i1 to vector<16xi1>
        %and3A_174 = arith.andi %eq3A_171, %and3A_173 : vector<16xi1>
        %broadcast_in_dim3A_175 = vector.broadcast %scan3A_95 : f32 to vector<16xf32>
        %select_n3A_176 = arith.select %and3A_174, %broadcast_in_dim3A_175, %get3A_169 : vector<16xi1>, vector<16xf32>
        %sort3A = arith.constant dense<true> : vector<16xi1>
        %sort3A_177, %sort3A_178, %sort3A_179 = tpu.sort %select_n3A_176, %select_n3A_176 masked %sort3A : (vector<16xf32>, vector<16xf32>, vector<16xi1>) -> (vector<16xi1>, vector<16xf32>, vector<16xf32>)
        %rev3A = arith.constant 15 : i32
        %rev3A_180 = vector.broadcast %rev3A : i32 to vector<16xi32>
        %rev3A_181 = tpu.iota {dimensions = array<i32: 0>} : vector<16xi32>
        %rev3A_182 = arith.subi %rev3A_180, %rev3A_181 : vector<16xi32>
        %rev3A_183 = tpu.dynamic_gather %scan3A_165[%rev3A_182] in [0] : vector<16xf32>, vector<16xi32> -> vector<16xf32>
        %min3A = arith.minimumf %sort3A_178, %rev3A_183 : vector<16xf32>
        %sort3A_184 = arith.constant dense<true> : vector<16xi1>
        %sort3A_185, %sort3A_186, %sort3A_187 = tpu.sort %min3A, %min3A masked %sort3A_184 : (vector<16xf32>, vector<16xf32>, vector<16xi1>) -> (vector<16xi1>, vector<16xf32>, vector<16xf32>)
        scf.yield %sort3A_186 : vector<16xf32>
      }
      %scan3A_159 = arith.constant 64 : i32
      %eq3A_160 = vector.broadcast %scan3A_104 : i32 to vector<16xi32>
      %eq3A_161 = arith.cmpi eq, %iota3A, %eq3A_160 : vector<16xi32>
      %slice3A = vector.extract_strided_slice %scan3A_158 {offsets = [15], sizes = [1], strides = [1]} : vector<16xf32> to vector<1xf32>
      %squeeze3A = vector.extract %slice3A[0] : f32 from vector<1xf32>
      %broadcast_in_dim3A_162 = vector.broadcast %squeeze3A : f32 to vector<16xf32>
      %select_n3A_163 = arith.select %eq3A_161, %broadcast_in_dim3A_162, %scan3A_105 : vector<16xi1>, vector<16xf32>
      scf.yield %select_n3A_163 : vector<16xf32>
    }
    %scan3A_101 = arith.constant 16 : i32
    %swap3A_102 = arith.constant 0 : index
    %swap3A_103 = tpu.vector_load %arg5[%swap3A_102] {strides = array<i32>} : memref<16xf32, #tpu.memory_space<vmem>>, vector<16xf32>,
    tpu.vector_store %arg5[%swap3A_102], %scan3A_100 {strides = array<i32>} : memref<16xf32, #tpu.memory_space<vmem>>, vector<16xf32>,
    "tpu.region"() ({
      %run_scoped3A = tpu.sem_alloc : memref<!tpu.dma_semaphore, #tpu.memory_space<semaphore_mem>>
      %dma_start3A = tpu.memref_slice %arg3[%add3A_92] : memref<4096xf32, #tpu.memory_space<hbm>> -> memref<16xf32, #tpu.memory_space<hbm>>
      %dma_start3A_104 = tpu.memref_slice %arg3[%add3A_92] : memref<4096xf32, #tpu.memory_space<hbm>> -> memref<16xf32, #tpu.memory_space<hbm>>
      tpu.enqueue_dma source(%arg5 : memref<16xf32, #tpu.memory_space<vmem>>) target(%dma_start3A_104 : memref<16xf32, #tpu.memory_space<hbm>>) target_semaphore(%run_scoped3A : memref<!tpu.dma_semaphore, #tpu.memory_space<semaphore_mem>>)
      %dma_wait3A = tpu.memref_slice %arg3[%add3A_92] : memref<4096xf32, #tpu.memory_space<hbm>> -> memref<16xf32, #tpu.memory_space<hbm>>
      %dma_wait3A_105 = tpu.memref_slice %arg3[%add3A_92] : memref<4096xf32, #tpu.memory_space<hbm>> -> memref<16xf32, #tpu.memory_space<hbm>>
      tpu.wait_dma2 semaphore(%run_scoped3A : memref<!tpu.dma_semaphore, #tpu.memory_space<semaphore_mem>>) src(%arg5 : memref<16xf32, #tpu.memory_space<vmem>>) dst(%dma_wait3A_105 : memref<16xf32, #tpu.memory_space<hbm>>)
      tpu.yield
    }) : () -> ()
    return
  }
}

module attributes {stable_mosaic.version = 14 : i64} {
  func.func @_tc1_kernel(%arg0: i32, %arg1: memref<1x1024x256xf32, #tpu.memory_space<vmem>>, %arg2: memref<1x1024x16xf32, #tpu.memory_space<vmem>>, %arg3: memref<16x256xf32, #tpu.memory_space<vmem>>, %arg4: memref<16xf32, #tpu.memory_space<vmem>>, %arg5: memref<256x256xf32, #tpu.memory_space<vmem>>, %arg6: memref<256xf32, #tpu.memory_space<vmem>>, %arg7: memref<1x1024x1024xf32, #tpu.memory_space<vmem>>, %arg8: memref<1x1024x16xf32, #tpu.memory_space<vmem>>, %arg9: memref<1x1024x16xf32, #tpu.memory_space<vmem>>, %arg10: memref<1x1024x256xf32, #tpu.memory_space<vmem>>) attributes {dimension_semantics = [#tpu.dimension_semantics<arbitrary>], iteration_bounds = array<i64: 4>, scalar_prefetch = 0 : i64, scratch_operands = 0 : i64, tpu.core_type = #tpu.core_type<tc>, window_params = [{transform_indices = @transform_0, window_bounds = array<i64: 1, 1024, 256>}, {transform_indices = @transform_1, window_bounds = array<i64: 1, 1024, 16>}, {pipeline_mode = #tpu.pipeline_mode<synchronous>, transform_indices = @transform_2, window_bounds = array<i64: 16, 256>}, {pipeline_mode = #tpu.pipeline_mode<synchronous>, transform_indices = @transform_3, window_bounds = array<i64: 16>}, {pipeline_mode = #tpu.pipeline_mode<synchronous>, transform_indices = @transform_4, window_bounds = array<i64: 256, 256>}, {pipeline_mode = #tpu.pipeline_mode<synchronous>, transform_indices = @transform_5, window_bounds = array<i64: 256>}, {transform_indices = @transform_6, window_bounds = array<i64: 1, 1024, 1024>}, {transform_indices = @transform_7, window_bounds = array<i64: 1, 1024, 16>}, {transform_indices = @transform_8, window_bounds = array<i64: 1, 1024, 16>}, {transform_indices = @transform_9, window_bounds = array<i64: 1, 1024, 256>}]} {
    %get3A = arith.constant 0 : index
    %get3A_0 = arith.constant 0 : index
    %get3A_1 = arith.constant 0 : index
    %get3A_2 = vector.load %arg1[%get3A, %get3A_0, %get3A_1] : memref<1x1024x256xf32, #tpu.memory_space<vmem>>, vector<1x1024x256xf32>
    %get3A_3 = vector.shape_cast %get3A_2 : vector<1x1024x256xf32> to vector<1024x256xf32>
    %get3A_4 = arith.constant 0 : index
    %get3A_5 = arith.constant 0 : index
    %get3A_6 = arith.constant 0 : index
    %get3A_7 = vector.load %arg2[%get3A_4, %get3A_5, %get3A_6] : memref<1x1024x16xf32, #tpu.memory_space<vmem>>, vector<1x1024x16xf32>
    %get3A_8 = vector.shape_cast %get3A_7 : vector<1x1024x16xf32> to vector<1024x16xf32>
    %get3A_9 = arith.constant 0 : index
    %get3A_10 = arith.constant 0 : index
    %get3A_11 = vector.load %arg3[%get3A_9, %get3A_10] : memref<16x256xf32, #tpu.memory_space<vmem>>, vector<16x256xf32>
    %dot_general3A = arith.constant dense<0.000000e+00> : vector<1024x16xf32>
    %dot_general3A_12 = tpu.matmul %get3A_3, %get3A_11, %dot_general3A {dimension_numbers = #tpu.dot_dimension_numbers<[1], [1], [0], [0], [0, 0, 1, 0], [], []>, transpose_lhs_hint = false} : vector<1024x256xf32>, vector<16x256xf32>, vector<1024x16xf32> -> vector<1024x16xf32>
    %get3A_13 = arith.constant 0 : index
    %get3A_14 = vector.load %arg4[%get3A_13] : memref<16xf32, #tpu.memory_space<vmem>>, vector<16xf32>
    %broadcast_in_dim3A = vector.shape_cast %get3A_14 : vector<16xf32> to vector<1x16xf32>
    %add3A = vector.broadcast %broadcast_in_dim3A : vector<1x16xf32> to vector<1024x16xf32>
    %add3A_15 = arith.addf %dot_general3A_12, %add3A : vector<1024x16xf32>
    %mul3A = arith.constant 1.000000e-01 : f32
    %mul3A_16 = vector.broadcast %mul3A : f32 to vector<1024x16xf32>
    %mul3A_17 = arith.mulf %mul3A_16, %add3A_15 : vector<1024x16xf32>
    %add3A_18 = arith.addf %get3A_8, %mul3A_17 : vector<1024x16xf32>
    %swap3A = arith.constant 0 : index
    %swap3A_19 = arith.constant 0 : index
    %swap3A_20 = arith.constant 0 : index
    %swap3A_21 = vector.load %arg9[%swap3A, %swap3A_19, %swap3A_20] : memref<1x1024x16xf32, #tpu.memory_space<vmem>>, vector<1x1024x16xf32>
    %swap3A_22 = vector.shape_cast %swap3A_21 : vector<1x1024x16xf32> to vector<1024x16xf32>
    %swap3A_23 = vector.shape_cast %add3A_15 : vector<1024x16xf32> to vector<1x1024x16xf32>
    tpu.vector_store %arg9[%swap3A, %swap3A_19, %swap3A_20], %swap3A_23 {strides = array<i32>} : memref<1x1024x16xf32, #tpu.memory_space<vmem>>, vector<1x1024x16xf32>,
    %swap3A_24 = arith.constant 0 : index
    %swap3A_25 = arith.constant 0 : index
    %swap3A_26 = arith.constant 0 : index
    %swap3A_27 = vector.load %arg8[%swap3A_24, %swap3A_25, %swap3A_26] : memref<1x1024x16xf32, #tpu.memory_space<vmem>>, vector<1x1024x16xf32>
    %swap3A_28 = vector.shape_cast %swap3A_27 : vector<1x1024x16xf32> to vector<1024x16xf32>
    %swap3A_29 = vector.shape_cast %add3A_18 : vector<1024x16xf32> to vector<1x1024x16xf32>
    tpu.vector_store %arg8[%swap3A_24, %swap3A_25, %swap3A_26], %swap3A_29 {strides = array<i32>} : memref<1x1024x16xf32, #tpu.memory_space<vmem>>, vector<1x1024x16xf32>,
    %get3A_30 = arith.constant 0 : index
    %get3A_31 = arith.constant 0 : index
    %get3A_32 = vector.load %arg5[%get3A_30, %get3A_31] : memref<256x256xf32, #tpu.memory_space<vmem>>, vector<256x256xf32>
    %dot_general3A_33 = arith.constant dense<0.000000e+00> : vector<1024x256xf32>
    %dot_general3A_34 = tpu.matmul %get3A_3, %get3A_32, %dot_general3A_33 {dimension_numbers = #tpu.dot_dimension_numbers<[1], [1], [0], [0], [0, 0, 1, 0], [], []>, transpose_lhs_hint = false} : vector<1024x256xf32>, vector<256x256xf32>, vector<1024x256xf32> -> vector<1024x256xf32>
    %get3A_35 = arith.constant 0 : index
    %get3A_36 = vector.load %arg6[%get3A_35] : memref<256xf32, #tpu.memory_space<vmem>>, vector<256xf32>
    %broadcast_in_dim3A_37 = vector.shape_cast %get3A_36 : vector<256xf32> to vector<1x256xf32>
    %add3A_38 = vector.broadcast %broadcast_in_dim3A_37 : vector<1x256xf32> to vector<1024x256xf32>
    %add3A_39 = arith.addf %dot_general3A_34, %add3A_38 : vector<1024x256xf32>
    %swap3A_40 = arith.constant 0 : index
    %swap3A_41 = arith.constant 0 : index
    %swap3A_42 = arith.constant 0 : index
    %swap3A_43 = vector.load %arg10[%swap3A_40, %swap3A_41, %swap3A_42] : memref<1x1024x256xf32, #tpu.memory_space<vmem>>, vector<1x1024x256xf32>
    %swap3A_44 = vector.shape_cast %swap3A_43 : vector<1x1024x256xf32> to vector<1024x256xf32>
    %swap3A_45 = vector.shape_cast %add3A_39 : vector<1024x256xf32> to vector<1x1024x256xf32>
    tpu.vector_store %arg10[%swap3A_40, %swap3A_41, %swap3A_42], %swap3A_45 {strides = array<i32>} : memref<1x1024x256xf32, #tpu.memory_space<vmem>>, vector<1x1024x256xf32>,
    %dot_general3A_46 = arith.constant dense<0.000000e+00> : vector<1024x1024xf32>
    %dot_general3A_47 = tpu.matmul %add3A_18, %add3A_18, %dot_general3A_46 {dimension_numbers = #tpu.dot_dimension_numbers<[1], [1], [0], [0], [0, 0, 1, 0], [], []>, precision = #tpu.contract_precision<fp32>, transpose_lhs_hint = false} : vector<1024x16xf32>, vector<1024x16xf32>, vector<1024x1024xf32> -> vector<1024x1024xf32>
    %mul3A_48 = arith.mulf %add3A_18, %add3A_18 : vector<1024x16xf32>
    %reduce_sum3A = arith.constant dense<0.000000e+00> : vector<1024xf32>
    %reduce_sum3A_49 = vector.multi_reduction <add>, %mul3A_48, %reduce_sum3A [1] : vector<1024x16xf32> to vector<1024xf32>
    %broadcast_in_dim3A_50 = vector.shape_cast %reduce_sum3A_49 : vector<1024xf32> to vector<1024x1xf32>
    %broadcast_in_dim3A_51 = arith.constant 1.000000e+00 : f32
    %broadcast_in_dim3A_52 = vector.broadcast %broadcast_in_dim3A_51 : f32 to vector<1x16xf32>
    %mul3A_53 = arith.mulf %add3A_18, %add3A_18 : vector<1024x16xf32>
    %dot_general3A_54 = arith.constant dense<0.000000e+00> : vector<1x1024xf32>
    %dot_general3A_55 = tpu.matmul %broadcast_in_dim3A_52, %mul3A_53, %dot_general3A_54 {dimension_numbers = #tpu.dot_dimension_numbers<[1], [1], [0], [0], [0, 0, 1, 0], [], []>, precision = #tpu.contract_precision<fp32>, transpose_lhs_hint = false} : vector<1x16xf32>, vector<1024x16xf32>, vector<1x1024xf32> -> vector<1x1024xf32>
    %add3A_56 = vector.broadcast %broadcast_in_dim3A_50 : vector<1024x1xf32> to vector<1024x1024xf32>
    %add3A_57 = vector.broadcast %dot_general3A_55 : vector<1x1024xf32> to vector<1024x1024xf32>
    %add3A_58 = arith.addf %add3A_56, %add3A_57 : vector<1024x1024xf32>
    %mul3A_59 = arith.constant 2.000000e+00 : f32
    %mul3A_60 = vector.broadcast %mul3A_59 : f32 to vector<1024x1024xf32>
    %mul3A_61 = arith.mulf %mul3A_60, %dot_general3A_47 : vector<1024x1024xf32>
    %sub3A = arith.subf %add3A_58, %mul3A_61 : vector<1024x1024xf32>
    %max3A = arith.constant 0.000000e+00 : f32
    %max3A_62 = vector.broadcast %max3A : f32 to vector<1024x1024xf32>
    %max3A_63 = arith.maximumf %sub3A, %max3A_62 : vector<1024x1024xf32>
    %swap3A_64 = arith.constant 0 : index
    %swap3A_65 = arith.constant 0 : index
    %swap3A_66 = arith.constant 0 : index
    %swap3A_67 = vector.load %arg7[%swap3A_64, %swap3A_65, %swap3A_66] : memref<1x1024x1024xf32, #tpu.memory_space<vmem>>, vector<1x1024x1024xf32>
    %swap3A_68 = vector.shape_cast %swap3A_67 : vector<1x1024x1024xf32> to vector<1024x1024xf32>
    %swap3A_69 = vector.shape_cast %max3A_63 : vector<1024x1024xf32> to vector<1x1024x1024xf32>
    tpu.vector_store %arg7[%swap3A_64, %swap3A_65, %swap3A_66], %swap3A_69 {strides = array<i32>} : memref<1x1024x1024xf32, #tpu.memory_space<vmem>>, vector<1x1024x1024xf32>,
    return
  }
  func.func @transform_0(%arg0: i32) -> (i32, i32, i32) {
    %c0_i32 = arith.constant 0 : i32
    %c0_i32_0 = arith.constant 0 : i32
    %c0_i32_1 = arith.constant 0 : i32
    return %arg0, %c0_i32, %c0_i32_0 : i32, i32, i32
  }
  func.func @transform_1(%arg0: i32) -> (i32, i32, i32) {
    %c0_i32 = arith.constant 0 : i32
    %c0_i32_0 = arith.constant 0 : i32
    %c0_i32_1 = arith.constant 0 : i32
    return %arg0, %c0_i32, %c0_i32_0 : i32, i32, i32
  }
  func.func @transform_2(%arg0: i32) -> (i32, i32) {
    %c0_i32 = arith.constant 0 : i32
    %c0_i32_0 = arith.constant 0 : i32
    %c0_i32_1 = arith.constant 0 : i32
    return %c0_i32, %c0_i32_0 : i32, i32
  }
  func.func @transform_3(%arg0: i32) -> i32 {
    %c0_i32 = arith.constant 0 : i32
    %c0_i32_0 = arith.constant 0 : i32
    return %c0_i32 : i32
  }
  func.func @transform_4(%arg0: i32) -> (i32, i32) {
    %c0_i32 = arith.constant 0 : i32
    %c0_i32_0 = arith.constant 0 : i32
    %c0_i32_1 = arith.constant 0 : i32
    return %c0_i32, %c0_i32_0 : i32, i32
  }
  func.func @transform_5(%arg0: i32) -> i32 {
    %c0_i32 = arith.constant 0 : i32
    %c0_i32_0 = arith.constant 0 : i32
    return %c0_i32 : i32
  }
  func.func @transform_6(%arg0: i32) -> (i32, i32, i32) {
    %c0_i32 = arith.constant 0 : i32
    %c0_i32_0 = arith.constant 0 : i32
    %c0_i32_1 = arith.constant 0 : i32
    return %arg0, %c0_i32, %c0_i32_0 : i32, i32, i32
  }
  func.func @transform_7(%arg0: i32) -> (i32, i32, i32) {
    %c0_i32 = arith.constant 0 : i32
    %c0_i32_0 = arith.constant 0 : i32
    %c0_i32_1 = arith.constant 0 : i32
    return %arg0, %c0_i32, %c0_i32_0 : i32, i32, i32
  }
  func.func @transform_8(%arg0: i32) -> (i32, i32, i32) {
    %c0_i32 = arith.constant 0 : i32
    %c0_i32_0 = arith.constant 0 : i32
    %c0_i32_1 = arith.constant 0 : i32
    return %arg0, %c0_i32, %c0_i32_0 : i32, i32, i32
  }
  func.func @transform_9(%arg0: i32) -> (i32, i32, i32) {
    %c0_i32 = arith.constant 0 : i32
    %c0_i32_0 = arith.constant 0 : i32
    %c0_i32_1 = arith.constant 0 : i32
    return %arg0, %c0_i32, %c0_i32_0 : i32, i32, i32
  }
}

module attributes {stable_mosaic.version = 14 : i64} {
  func.func @_tc2_kernel(%arg0: i32, %arg1: memref<1x1024x1024xf32, #tpu.memory_space<vmem>>, %arg2: memref<1x1024x1xf32, #tpu.memory_space<vmem>>, %arg3: memref<1x1024x256xf32, #tpu.memory_space<vmem>>, %arg4: memref<1x1024x256xf32, #tpu.memory_space<vmem>>) attributes {dimension_semantics = [#tpu.dimension_semantics<arbitrary>], iteration_bounds = array<i64: 4>, scalar_prefetch = 0 : i64, scratch_operands = 0 : i64, tpu.core_type = #tpu.core_type<tc>, window_params = [{transform_indices = @transform_0, window_bounds = array<i64: 1, 1024, 1024>}, {transform_indices = @transform_1, window_bounds = array<i64: 1, 1024, 1>}, {transform_indices = @transform_2, window_bounds = array<i64: 1, 1024, 256>}, {transform_indices = @transform_3, window_bounds = array<i64: 1, 1024, 256>}]} {
    %get3A = arith.constant 0 : index
    %get3A_0 = arith.constant 0 : index
    %get3A_1 = arith.constant 0 : index
    %get3A_2 = vector.load %arg1[%get3A, %get3A_0, %get3A_1] : memref<1x1024x1024xf32, #tpu.memory_space<vmem>>, vector<1x1024x1024xf32>
    %get3A_3 = vector.shape_cast %get3A_2 : vector<1x1024x1024xf32> to vector<1024x1024xf32>
    %get3A_4 = arith.constant 0 : index
    %get3A_5 = arith.constant 0 : index
    %get3A_6 = arith.constant 0 : index
    %get3A_7 = vector.load %arg2[%get3A_4, %get3A_5, %get3A_6] : memref<1x1024x1xf32, #tpu.memory_space<vmem>>, vector<1x1024x1xf32>
    %get3A_8 = vector.shape_cast %get3A_7 : vector<1x1024x1xf32> to vector<1024x1xf32>
    %get3A_9 = arith.constant 0 : index
    %get3A_10 = arith.constant 0 : index
    %get3A_11 = arith.constant 0 : index
    %get3A_12 = vector.load %arg3[%get3A_9, %get3A_10, %get3A_11] : memref<1x1024x256xf32, #tpu.memory_space<vmem>>, vector<1x1024x256xf32>
    %get3A_13 = vector.shape_cast %get3A_12 : vector<1x1024x256xf32> to vector<1024x256xf32>
    %iota3A = tpu.iota {dimensions = array<i32: 1>} : vector<1024x1024xi32>
    %iota3A_14 = tpu.iota {dimensions = array<i32: 0>} : vector<1024x1024xi32>
    %sqrt3A = math.sqrt %get3A_3 : vector<1024x1024xf32>
    %le3A = vector.broadcast %get3A_8 : vector<1024x1xf32> to vector<1024x1024xf32>
    %le3A_15 = arith.cmpf ole, %get3A_3, %le3A : vector<1024x1024xf32>
    %ne3A = arith.cmpi ne, %iota3A, %iota3A_14 : vector<1024x1024xi32>
    %and3A = arith.andi %le3A_15, %ne3A : vector<1024x1024xi1>
    %mul3A = arith.constant -5.000000e-01 : f32
    %mul3A_16 = vector.broadcast %mul3A : f32 to vector<1024x1024xf32>
    %mul3A_17 = arith.mulf %sqrt3A, %mul3A_16 : vector<1024x1024xf32>
    %exp3A = math.exp %mul3A_17 : vector<1024x1024xf32>
    %jit3A = arith.constant 0.000000e+00 : f32
    %broadcast_in_dim3A = vector.broadcast %jit3A : f32 to vector<1024x1024xf32>
    %select_n3A = arith.select %and3A, %exp3A, %broadcast_in_dim3A : vector<1024x1024xi1>, vector<1024x1024xf32>
    %broadcast_in_dim3A_18 = arith.constant 1.000000e+00 : f32
    %broadcast_in_dim3A_19 = vector.broadcast %broadcast_in_dim3A_18 : f32 to vector<1024x1xf32>
    %dot_general3A = arith.constant dense<0.000000e+00> : vector<1024x1xf32>
    %dot_general3A_20 = tpu.matmul %select_n3A, %broadcast_in_dim3A_19, %dot_general3A {dimension_numbers = #tpu.dot_dimension_numbers<[1], [0], [0], [1], [0, 0, 1, 1], [], []>, transpose_lhs_hint = false} : vector<1024x1024xf32>, vector<1024x1xf32>, vector<1024x1xf32> -> vector<1024x1xf32>
    %add3A = arith.constant 9.99999993E-9 : f32
    %add3A_21 = vector.broadcast %add3A : f32 to vector<1024x1xf32>
    %add3A_22 = arith.addf %dot_general3A_20, %add3A_21 : vector<1024x1xf32>
    %dot_general3A_23 = arith.constant dense<0.000000e+00> : vector<1024x256xf32>
    %dot_general3A_24 = tpu.matmul %select_n3A, %get3A_13, %dot_general3A_23 {dimension_numbers = #tpu.dot_dimension_numbers<[1], [0], [0], [1], [0, 0, 1, 1], [], []>, transpose_lhs_hint = false} : vector<1024x1024xf32>, vector<1024x256xf32>, vector<1024x256xf32> -> vector<1024x256xf32>
    %div3A = vector.broadcast %add3A_22 : vector<1024x1xf32> to vector<1024x256xf32>
    %div3A_25 = arith.divf %dot_general3A_24, %div3A : vector<1024x256xf32>
    %swap3A = arith.constant 0 : index
    %swap3A_26 = arith.constant 0 : index
    %swap3A_27 = arith.constant 0 : index
    %swap3A_28 = vector.load %arg4[%swap3A, %swap3A_26, %swap3A_27] : memref<1x1024x256xf32, #tpu.memory_space<vmem>>, vector<1x1024x256xf32>
    %swap3A_29 = vector.shape_cast %swap3A_28 : vector<1x1024x256xf32> to vector<1024x256xf32>
    %swap3A_30 = vector.shape_cast %div3A_25 : vector<1024x256xf32> to vector<1x1024x256xf32>
    tpu.vector_store %arg4[%swap3A, %swap3A_26, %swap3A_27], %swap3A_30 {strides = array<i32>} : memref<1x1024x256xf32, #tpu.memory_space<vmem>>, vector<1x1024x256xf32>,
    return
  }
  func.func @transform_0(%arg0: i32) -> (i32, i32, i32) {
    %c0_i32 = arith.constant 0 : i32
    %c0_i32_0 = arith.constant 0 : i32
    %c0_i32_1 = arith.constant 0 : i32
    return %arg0, %c0_i32, %c0_i32_0 : i32, i32, i32
  }
  func.func @transform_1(%arg0: i32) -> (i32, i32, i32) {
    %c0_i32 = arith.constant 0 : i32
    %c0_i32_0 = arith.constant 0 : i32
    %c0_i32_1 = arith.constant 0 : i32
    return %arg0, %c0_i32, %c0_i32_0 : i32, i32, i32
  }
  func.func @transform_2(%arg0: i32) -> (i32, i32, i32) {
    %c0_i32 = arith.constant 0 : i32
    %c0_i32_0 = arith.constant 0 : i32
    %c0_i32_1 = arith.constant 0 : i32
    return %arg0, %c0_i32, %c0_i32_0 : i32, i32, i32
  }
  func.func @transform_3(%arg0: i32) -> (i32, i32, i32) {
    %c0_i32 = arith.constant 0 : i32
    %c0_i32_0 = arith.constant 0 : i32
    %c0_i32_1 = arith.constant 0 : i32
    return %arg0, %c0_i32, %c0_i32_0 : i32, i32, i32
  }
}

</mosaic_0001>

<sc_bundles>
// kernel: kernel.5.cloned.1.call-start
scs
__scs_entry_jumppad:
0x0: {  	(pc) =	sbr.rel $0x88, $3  }
0x1: {  	(tag) =	ssettag $0x0;
	lr =	simm.s32 $0x1  }
0x2: {  	[smem:$0x3F9B] =	sst lr;
	_ =	strace $0xD0000000  }
0x3: {  	_ = 	snop  }
0x4: {  	_ = 	snop  }
0x5: {  	_ = 	snop  }
0x6: {  	_ = 	snop  }
0x7: {  	_ = 	snop  }
__scs_overlays_trampoline_lowered:
0x8: {  	[smem:$0x3FAA] =	sst s0  }
0x9: {  	[smem:$0x3FAB] =	sst s1  }
0xa: {  	[smem:$0x3FAC] =	sst s2  }
0xb: {  	[smem:$0x3FAD] =	sst s3  }
0xc: {  	[smem:$0x3FAE] =	sst s4  }
0xd: {  	[smem:$0x3FAF] =	sst s5  }
0xe: {  	[smem:$0x3FB0] =	sst s6  }
0xf: {  	[smem:$0x3FB1] =	sst s7  }
0x10: {  	[smem:$0x3FB2] =	sst s8  }
0x11: {  	[smem:$0x3FB3] =	sst s9;
	s0 =	simm.s32 @!p0 $0x0  }
0x12: {  	s1 =	sld [smem:$0x3F99];
	s0 =	simm.s32 @p0 $0x1  }
0x13: {  	[smem:$0x3FB4] =	sst s0;
	s0 =	simm.s32 @!p1 $0x0  }
0x14: {  	s2 =	sld [smem:$0x3F98];
	s0 =	simm.s32 @p1 $0x1  }
0x15: {  	[smem:$0x3FB5] =	sst s0;
	s0 =	simm.s32 @!p2 $0x0  }
0x16: {  	s3 =	sld [smem:$0x3FDB];
	s0 =	simm.s32 @p2 $0x1  }
0x17: {  	s4 =	simm.s32 $0x1BF5;
	[smem:$0x3FB7] =	sst s0  }
0x18: {  	s0 =	sld [smem:$0x3F9A];
	_ =	swait.ge [sflag:s4], $0x0  }
0x19: {  	s7 =	sld [smem:$0x3F9B]  }
0x1a: {  	s8 =	sadd.s32 $0xFFFFE003, lr  }
0x1b: {  	s9 =	sadd.s32 $0xFFFFFEF7, lr;
	s5 =	simm.s32 $0xFFFFFFFF;
	p2 =	slt.u32 s8, $0xFFFFF086  }
0x1c: {  	p1 =	slt.u32 s9, $0xF7A;
	s5 =	simm.s32 @!p2 $0x0  }
0x1d: {  	s5 =	simm.s32 @p1 $0x1;
	p0 =	seq.s32 s7, s2  }
0x1e: {  	s7 =	smul.u32 @!p0 $0xF7A, s2;
	p2 =	seq.s32 @!p0 s5, $0x0  }
0x1f: {  	s9 =	smul.u32 $0xF7A, s1;
	s8 =	simm.s32 @!p0 $0x1BF5;
	p2 =	por !p2, p0  }
0x20: {  	[sflag:s8] =	ssyncset.s32 @!p0 $0xFFFFF086;
	s6 =	sadd.s32 @!p0 s3, s7;
	s7 =	simm.s32 @!p0 $0x108  }
0x21: {  	s3 =	sadd.s32 s3, s9;
	s6 =	sadd.s32 @!p0 $0x88, s6;
	s7 =	simm.s32 @p2 $0x1082  }
0x22: {  	[simem:s7], [sflag:s8] =	dma.local @!p0 [hbm:s6], $0xF7A  }
0x23: {  	s9 =	sor.u32 $0xD0000000, s2;
	s6 =	simm.s32 $0x108;
	_ =	swait.ge @!p0 [sflag:s8], $0x0  }
0x24: {  	s3 =	sadd.s32 $0x88, s3;
	s6 =	simm.s32 @!p1 $0x1082;
	[sflag:s4] =	ssyncset.s32 $0xFFFFF086  }
0x25: {  	[simem:s6], [sflag:s4] =	dma.local [hbm:s3], $0xF7A  }
0x26: {  	[smem:$0x3F9B] =	sst s1;
	(tag) =	ssettag s2;
	_ =	strace s9  }
0x27: {  	s1 =	sld [smem:$0x3FAB]  }
0x28: {  	s2 =	sld [smem:$0x3FAC]  }
0x29: {  	s4 =	sld [smem:$0x3FAE]  }
0x2a: {  	p0 =	seq.s32 s5, $0x0;
	s5 =	sld [smem:$0x3FAF]  }
0x2b: {  	s6 =	sld [smem:$0x3FB0]  }
0x2c: {  	s7 =	sld [smem:$0x3FB1]  }
0x2d: {  	s3 =	simm.s32 $0x108;
	s8 =	sld [smem:$0x3FB2]  }
0x2e: {  	s3 =	simm.s32 @!p0 $0x1082;
	s9 =	sld [smem:$0x3FB3]  }
0x2f: {  	lr =	sadd.s32 s0, s3;
	s0 =	sld [smem:$0x3FAA]  }
0x30: {  	s3 =	sld [smem:$0x3FAD]  }
0x31: {  	[smem:$0x3FB6] =	sst s10  }
0x32: {  	s10 =	sld [smem:$0x3FB4];
	_ =	sdelay $0x3  }
0x33: {  	p0 =	seq.s32 s10, $0x1;
	s10 =	sld [smem:$0x3FB6];
	_ =	sdelay $0x3  }
0x34: {  	[smem:$0x3FB6] =	sst s10  }
0x35: {  	s10 =	sld [smem:$0x3FB5];
	_ =	sdelay $0x3  }
0x36: {  	p1 =	seq.s32 s10, $0x1;
	s10 =	sld [smem:$0x3FB6];
	_ =	sdelay $0x3  }
0x37: {  	[smem:$0x3FB6] =	sst s10  }
0x38: {  	s10 =	sld [smem:$0x3FB7]  }
0x39: {  	_ = 	snop;
	(pc) =	sbr.ind lr, $3  }
0x3a: {  	_ = 	snop  }
0x3b: {  	_ = 	snop  }
0x3c: {  	p2 =	seq.s32 s10, $0x1;
	s10 =	sld [smem:$0x3FB6]  }
0x3d: {  	_ =	shalt  }
0x3e: {  	_ =	shalt  }
0x3f: {  	_ =	shalt  }
0x40: {  	_ =	shalt  }
0x41: {  	_ =	shalt  }
0x42: {  	_ =	shalt  }
0x43: {  	_ =	shalt  }
0x44: {  	_ =	shalt  }
0x45: {  	_ =	shalt  }
0x46: {  	_ =	shalt  }
0x47: {  	_ =	shalt  }
0x48: {  	_ =	shalt  }
0x49: {  	_ =	shalt  }
0x4a: {  	_ =	shalt  }
0x4b: {  	_ =	shalt  }
0x4c: {  	_ =	shalt  }
0x4d: {  	_ =	shalt  }
0x4e: {  	_ =	shalt  }
0x4f: {  	_ =	shalt  }
0x50: {  	_ =	shalt  }
0x51: {  	_ =	shalt  }
0x52: {  	_ =	shalt  }
0x53: {  	_ =	shalt  }
0x54: {  	_ =	shalt  }
0x55: {  	_ =	shalt  }
0x56: {  	_ =	shalt  }
0x57: {  	_ =	shalt  }
0x58: {  	_ =	shalt  }
0x59: {  	_ =	shalt  }
0x5a: {  	_ =	shalt  }
0x5b: {  	_ =	shalt  }
0x5c: {  	_ =	shalt  }
0x5d: {  	_ =	shalt  }
0x5e: {  	_ =	shalt  }
0x5f: {  	_ =	shalt  }
0x60: {  	_ =	shalt  }
0x61: {  	_ =	shalt  }
0x62: {  	_ =	shalt  }
0x63: {  	_ =	shalt  }
0x64: {  	_ =	shalt  }
0x65: {  	_ =	shalt  }
0x66: {  	_ =	shalt  }
0x67: {  	_ =	shalt  }
0x68: {  	_ =	shalt  }
0x69: {  	_ =	shalt  }
0x6a: {  	_ =	shalt  }
0x6b: {  	_ =	shalt  }
0x6c: {  	_ =	shalt  }
0x6d: {  	_ =	shalt  }
0x6e: {  	_ =	shalt  }
0x6f: {  	_ =	shalt  }
0x70: {  	_ =	shalt  }
0x71: {  	_ =	shalt  }
0x72: {  	_ =	shalt  }
0x73: {  	_ =	shalt  }
0x74: {  	_ =	shalt  }
0x75: {  	_ =	shalt  }
0x76: {  	_ =	shalt  }
0x77: {  	_ =	shalt  }
0x78: {  	_ =	shalt  }
0x79: {  	_ =	shalt  }
0x7a: {  	_ =	shalt  }
0x7b: {  	_ =	shalt  }
0x7c: {  	_ =	shalt  }
0x7d: {  	_ =	shalt  }
0x7e: {  	_ =	shalt  }
0x7f: {  	_ =	shalt  }
0x80: {  	_ =	shalt  }
0x81: {  	_ =	shalt  }
0x82: {  	_ =	shalt  }
0x83: {  	_ =	shalt  }
0x84: {  	_ =	shalt  }
0x85: {  	_ =	shalt  }
0x86: {  	_ =	shalt  }
0x87: {  	_ =	shalt  }
.Lfunc_end0:
.L_simem_size_0:
called_computation_lowered:
.L_overlay_start_0:
0x88: {  	s2 =	sld [smem:$0x3FD9]  }
0x89: {  	s3 =	sld [smem:$0x3FFE];
	_ =	sdelay $0x1  }
0x8a: {  	s1 =	srdreg.scid  }
0x8b: {  	s0 =	sand.u32 $0x1, s1  }
0x8c: {  	s14 =	sshll.u32 s0, $0xA;
	s2 =	sadd.s32 s3, s2  }
0x8d: {  	s2 =	sadd.s32 s2, s14  }
0x8e: {  	[smem:$0x3FC2] =	sst s2  }
0x8f: {  	_ = 	snop  }
0x90: {  	s2 =	sld [smem:$0x3FD0];
	_ =	sdelay $0x2  }
0x91: {  	s15 =	simm.s32 $0xA;
	s4 =	simm.s32 $0x10  }
0x92: {  	[smem:s4], [sflag:s15] =	dma.local [hbm:s2], $0x1  }
0x93: {  	_ =	swait.eq [sflag:s15], $0x1  }
0x94: {  	[sflag:s15] =	ssyncset.done $0x0  }
0x95: {  	[sflag:s15] =	ssyncadd.s32 $0xFFFFFFFF  }
0x96: {  	s16 =	sld [smem:$0x10];
	(tm) =	ssettm $0x1  }
0x97: {  	s17 =	sld [smem:$0x3FFB];
	_ =	sdelay $0x3  }
0x98: {  	_ =	strace s17  }
0x99: {  	s3 =	sld [smem:$0x3FFC];
	_ =	sdelay $0x3  }
0x9a: {  	_ =	strace s3  }
0x9b: {  	s3 =	sld [smem:$0x3FFD];
	_ =	sdelay $0x3  }
0x9c: {  	_ =	strace s3  }
0x9d: {  	_ =	strace $0x8FFFFFFF  }
0x9e: {  	s18 =	sld [smem:$0x3FDB];
	_ =	sdelay $0x1  }
0x9f: {  	s19 =	simm.s32 $_scs_section_size  }
0xa0: {  	s5 =	simm.s32 $_size__tile_overlayer_lowered;
	s6 =	simm.s32 $_tile_overlayer_lowered  }
0xa1: {  	s22 =	simm.s32 $0x1BFF;
	s21 =	sshll.u32 s6, $0x1;
	s3 =	sadd.s32 s19, s18  }
0xa2: {  	s7 =	simm.s32 $0x0;
	s20 =	sshll.u32 s5, $0x1;
	s5 =	sadd.s32 s21, s3  }
0xa3: {  	[timem:s7], [sflag:s22] =	dma.local [hbm:s5], s20  }
0xa4: {  	_ =	swait.ge [sflag:s22], s20  }
0xa5: {  	s4 =	ssub.s32 $0x0, s20;
	[sflag:s22] =	ssyncset.done $0x0  }
0xa6: {  	[sflag:s22] =	ssyncadd.s32 s4;
	_ =	sdelay $0x1  }
0xa7: {  	s23 =	simm.s32 $0x1B8B  }
0xa8: {  	_ =	swait.ge [sflag:s23], $0x1  }
0xa9: {  	[sflag:s23] =	ssyncset.done $0x0  }
0xaa: {  	s25 =	simm.s32 $0x1B8E;
	s24 =	sld [smem:$0x3FFE];
	[sflag:s23] =	ssyncadd.s32 $0xFFFFFFFF  }
0xab: {  	s26 =	simm.s32 $execute0_lowered;
	[smem:$0x3FD2] =	sst s25  }
0xac: {  	s5 =	sshll.u32 s26, $0x1;
	_ =	strace $0x80000046;
	[dreg:$0x1] =	wrdreg $0xFFFFFFFF  }
0xad: {  	s28 =	simm.s32 $_size_execute0_lowered;
	s3 =	sadd.s32 s3, s5;
	[dreg:$0x0] =	wrdreg $0x0  }
0xae: {  	s5 =	sshll.u32 s28, $0x1;
	[dreg:$0x2] =	wrdreg s3  }
0xaf: {  	[dreg:$0x3] =	wrdreg s5  }
0xb0: {  	[dreg:$0x4] =	wrdreg $0xC0  }
0xb1: {  	_ =	task [dreg:s7], $0x5FFFF  }
0xb2: {  	[dreg:$0x1] =	wrdreg $0xFFFFFFFF  }
0xb3: {  	[dreg:$0x0] =	wrdreg $0x60  }
0xb4: {  	[dreg:$0x2] =	wrdreg s24  }
0xb5: {  	[dreg:$0x3] =	wrdreg s16  }
0xb6: {  	[dreg:$0x4] =	wrdreg $0x9  }
0xb7: {  	_ =	task.clear_ibuf [dreg:s7], $0x5FFFF;
	_ =	strace $0x90000046  }
0xb8: {  	s29 =	simm.s32 $0x9;
	_ =	strace $0x80000048  }
0xb9: {  	_ =	swait.ge [sflag:s29], $0x1  }
0xba: {  	[sflag:s29] =	ssyncadd.s32 $0xFFFFFFFF  }
0xbb: {  	_ =	strace $0x90000048  }
0xbc: {  	_ =	sfence  }
0xbd: {  	s30 =	sld [smem:$0x0];
	_ =	sdelay $0x2  }
0xbe: {  	s31 =	sshll.u32 s1, $0xD;
	s1 =	sshrl.u32 s1, $0x2  }
0xbf: {  	s3 =	sand.u32 $0x4000, s31;
	s1 =	sadd.s32 s1, s30  }
0xc0: {  	s0 =	sor.u32 s3, s0;
	s1 =	sshll.u32 s1, $0x11  }
0xc1: {  	s0 =	sor.u32 s1, s0  }
0xc2: {  	s0 =	sadd.s32 $0x8F2B, s0  }
0xc3: {  	[sflag:s0] =	ssyncadd.remote.s32 $0x1  }
0xc4: {  	_ =	sfence.sel $0xFFFF  }
0xc5: {  	[dreg:$0x0] =	wrdreg $0xFFFFFFFF;
	(pc) =	sbr.abs _section_cstart, $3  }
0xc6: {  	[dreg:$0x1] =	wrdreg $0xFFFFFFFF  }
0xc7: {  	_ =	task.clear_ibuf [dreg:s7], $0x2FFFF;
	_ =	strace $0x9FFFFFFF  }
0xc8: {  	(tm) =	ssettm $0x7FFFFFFF  }
0xc9: {  	_ =	shalt  }
tec
execute0_lowered:
.L_overlay_start_1:
0x0: {  	(tag) =	ssettag $0x1  }
0x1: {  	s0 =	rddreg [dreg:$0x0]  }
0x2: {  	s1 =	rddreg [dreg:$0x1];
	s8 =	simm.s32 $0x0;
	s2 =	srdreg.scid  }
0x3: {  	s4 =	stileid.u32;
	s30 =	simm.s32 $0x1;
	s31 =	simm.s32 $0x4000  }
0x4: {  	[smem:$0x7FF] =	sst s8;
	s2 =	sand.u32 $0x1, s2;
	s4 =	sshll.u32 s4, $0x8  }
0x5: {  	s0 =	sadd.s32 $0x1000, s0;
	s3 =	ssub.s32 $0x2, s2;
	s2 =	sshll.u32 s2, $0x7  }
0x6: {  	_ =	strace $0x80000047;
	s5 =	sshrl.u32 s3, $0x1;
	s2 =	sor.u32 s2, s4  }
0x7: {  	s3 =	ssub.s32 s3, s5;
	s4 =	sshll.u32 s2, $0x7;
	s12 =	sshrl.u32 s2, $0x3  }
0x8: {  	s6 =	sor.u32 $0x10, s2;
	s15 =	sor.u32 $0x20, s2;
	s18 =	sor.u32 $0x30, s2  }
0x9: {  	s7 =	sor.u32 $0x40, s2;
	s22 =	sor.u32 $0x50, s2;
	s24 =	sor.u32 $0x60, s2  }
0xa: {  	s26 =	sor.u32 $0x70, s2;
	s9 =	sshll.u32 s2, $0x3;
	s4 =	sadd.s32 s0, s4  }
0xb: {  	s5 =	sadd.s32 s1, s12;
	s13 =	sshll.u32 s6, $0x7;
	s14 =	sshrl.u32 s6, $0x3  }
0xc: {  	s16 =	sshll.u32 s15, $0x7;
	s6 =	sshrl.u32 s15, $0x3;
	s19 =	sshll.u32 s18, $0x7  }
0xd: {  	s20 =	sshll.u32 s7, $0x7;
	s21 =	sshrl.u32 s7, $0x3;
	s23 =	sshll.u32 s22, $0x7  }
0xe: {  	s25 =	sshll.u32 s24, $0x7;
	s7 =	sshrl.u32 s26, $0x3;
	[dreg:$0x3] =	wrdreg s4  }
0xf: {  	s4 =	sand.u32 $0x380, s2;
	[dreg:$0x4] =	wrdreg s5;
	s5 =	sadd.s32 s0, s13  }
0x10: {  	s17 =	sadd.s32 s1, s6;
	s10 =	sadd.s32 s0, s19;
	s12 =	sadd.s32 s0, s20  }
0x11: {  	s13 =	sadd.s32 s1, s21;
	s6 =	sshrl.u32 s22, $0x3;
	s19 =	sadd.s32 s1, s7  }
0x12: {  	s20 =	smax.u32 s3, $0x1;
	s3 =	sor.u32 $0x200, s9;
	[dreg:$0x5] =	wrdreg s5  }
0x13: {  	s7 =	sor.u32 $0x300, s9;
	s5 =	sadd.s32 s1, s14;
	[dreg:$0x8] =	wrdreg s17  }
0x14: {  	s14 =	sadd.s32 s0, s23;
	s15 =	sadd.s32 s1, s6;
	s6 =	sshll.u32 s26, $0x7  }
0x15: {  	s26 =	sor.u32 $0x80, s9;
	s28 =	sand.u32 $0x1F00, s7;
	[dreg:$0x6] =	wrdreg s5  }
0x16: {  	s5 =	sadd.s32 s0, s16;
	s16 =	sadd.s32 s0, s25;
	s25 =	sshrl.u32 s2, $0x4  }
0x17: {  	s22 =	sand.u32 $0x1C80, s26;
	s2 =	sor.u32 $0x180, s9;
	[dreg:$0x7] =	wrdreg s5  }
0x18: {  	s5 =	sshrl.u32 s18, $0x3;
	s18 =	sadd.s32 s0, s6;
	s21 =	sand.u32 $0x38, s25  }
0x19: {  	v0 =	vlaneseq.u32;
	s25 =	sand.u32 $0x1E00, s3;
	s6 =	sor.u32 $0x280, s9;
	s0 =	simm.s32 $0x0  }
0x1a: {  	v1 =	vmul.u32 $0xFFFFFFFF, v0;
	s11 =	sadd.s32 s1, s5;
	s5 =	sshrl.u32 s24, $0x3;
	s24 =	sand.u32 $0x1D80, s2  }
0x1b: {  	s17 =	sadd.s32 s1, s5;
	s1 =	sor.u32 $0x100, s9;
	s9 =	sor.u32 $0x380, s9  }
0x1c: {  	vm0 =	vmxor vm0, vm0;
	v1 =	vadd.s32 $0xF, v1;
	s26 =	sand.u32 $0x1E80, s6;
	s23 =	sand.u32 $0x1D00, s1;
	s29 =	sand.u32 $0x1F80, s9  }
.LBB2_1:
0x1d: {  	s1 =	rddreg [dreg:$0x3]  }
0x1e: {  	[tilespmem:s8], [sflag:$0x1] =	stream.linear.gather [hbm4b:s1+s8], $0x4000, $0x38;
	[tilespmem:$0x4080] =	vst v63  }
0x1f: {  	_ =	swait.ge [sflag:s30], $0x4000  }
0x20: {  	[sflag:s30] =	ssyncset.done $0x0  }
0x21: {  	v2 =	vimm.f32 $0.0e+00;
	s1 =	simm.s32 $0x0;
	[sflag:s30] =	ssyncadd.s32 $0xFFFFC000  }
.LBB2_2:
0x22: {  	s2 =	sor.u32 s4, s1  }
0x23: {  	s5 =	sshll.u32 s1, $0xA;
	s3 =	sshll.u32 s1, $0x7;
	p0 =	seq.s32 s2, $0x0  }
0x24: {  	s2 =	sand.u32 $0x2000, s5;
	s3 =	sand.u32 $0x380, s3;
	s5 =	simm.s32 $0x0  }
0x25: {  	p1 =	sne.s32 s1, $0x0;
	s2 =	sor.u32 s3, s2;
	s6 =	sand.u32 $0x1C00, s5  }
0x26: {  	p0 =	por !p1, !p0;
	s5 =	sand.u32 $0x70, s5;
	s3 =	sadd.s32 s6, s2  }
0x27: {  	p0 =	por !p0, !p0;
	s6 =	simm.s32 $0x1;
	s3 =	sadd.s32 s5, s3  }
0x28: {  	s6 =	simm.s32 @!p0 $0x0;
	v3 =	vld [tilespmem:s3+$0x0]  }
0x29: {  	s7 =	ssub.s32 s21, s6  }
0x2a: {  	v4 =	vmov s1;
	vm2 =	vmmov vm0;
	p0 =	seq.s32 s7, $0x0  }
0x2b: {  	vm1 =	veq.s32 v4, v0;
	vm2 =	vmneg @p0 vm2  }
0x2c: {  	vm2 =	vmand vm1, vm2  }
0x2d: {  	v3 =	vsel vm2, $0x7F61B1E6, v3  }
0x2e: {  	(xrf1) =	vsort.ascd.msk.f32 $0xffff, v3, v3;
	_ =	sdelay $0x7  }
0x2f: {  	s8 =	simm.s32 $0x80  }
0x30: {  	s9 =	simm.s32 $0x10;
	s5 =	sand.u32 $0x1C00, s8  }
0x31: {  	s6 =	sand.u32 $0x70, s9;
	s5 =	sadd.s32 s5, s2  }
0x32: {  	s5 =	sadd.s32 s6, s5  }
0x33: {  	v63 =	vimm.f32 $3.000000010e+38;
	v3 =	vld [tilespmem:s5+$0x0]  }
0x34: {  	v4 =	vperm.xlane v63, v1;
	s3 =	sadd.s32 $0xFFFFFFFF, s7  }
0x35: {  	p0 =	seq.s32 s3, $0x0;
	vm2 =	vmmov vm0;
	v5, _, _ =	vpop (xrf1)  }
0x36: {  	vm2 =	vmneg @p0 vm2;
	v4 =	vmin.f32 v5, v4  }
0x37: {  	vm2 =	vmand vm1, vm2;
	(xrf1) =	vsort.ascd.msk.f32 $0xffff, v4, v4  }
0x38: {  	v3 =	vsel vm2, $0x7F61B1E6, v3  }
0x39: {  	(xrf1) =	vsort.ascd.msk.f32 $0xffff, v3, v3;
	_ =	sdelay $0x7  }
0x3a: {  	s5 =	simm.s32 $0x100  }
0x3b: {  	s6 =	simm.s32 $0x20;
	s7 =	simm.s32 $0x30;
	s8 =	sand.u32 $0x1C00, s5  }
.LBB2_3:
0x3c: {  	p0 =	sne.s32 s7, $0x3F0;
	s6 =	sand.u32 $0x70, s6;
	s8 =	sadd.s32 s8, s2  }
0x3d: {  	s8 =	sadd.s32 s6, s8;
	s6 =	smov.u32 s7  }
0x3e: {  	v3 =	vld [tilespmem:s8+$0x0];
	v4, _, _ =	vpop (xrf1)  }
0x3f: {  	s3 =	sadd.s32 $0xFFFFFFFF, s3;
	v4 =	vperm.xlane v4, v1  }
0x40: {  	vm2 =	vmmov vm0;
	p1 =	seq.s32 s3, $0x0;
	v5, _, _ =	vpop (xrf1)  }
0x41: {  	vm2 =	vmneg @p1 vm2;
	v4 =	vmin.f32 v5, v4  }
0x42: {  	vm2 =	vmand vm1, vm2;
	(xrf1) =	vsort.ascd.msk.f32 $0xffff, v4, v4  }
0x43: {  	v3 =	vsel vm2, $0x7F61B1E6, v3  }
0x44: {  	(xrf1) =	vsort.ascd.msk.f32 $0xffff, v3, v3;
	_ =	sdelay $0x4  }
.Ltmp0:
0x45: {  	(pc) =	sbr.rel @p0 .LBB2_3-.Ltmp0, $3  }
0x46: {  	_ =	sdelay $0x1  }
0x47: {  	s5 =	sadd.s32 $0x80, s5  }
0x48: {  	s7 =	sadd.s32 $0x10, s7;
	s8 =	sand.u32 $0x1C00, s5  }
0x49: {  	s5 =	sand.u32 $0x70, s6;
	s2 =	sadd.s32 s8, s2  }
0x4a: {  	s2 =	sadd.s32 s5, s2  }
0x4b: {  	v3 =	vld [tilespmem:s2+$0x0];
	v4, _, _ =	vpop (xrf1)  }
0x4c: {  	s9 =	sadd.s32 $0xFFFFFFFF, s3;
	v4 =	vperm.xlane v4, v1  }
0x4d: {  	vm2 =	vmmov vm0;
	p0 =	seq.s32 s9, $0x0;
	v5, _, _ =	vpop (xrf1)  }
0x4e: {  	vm2 =	vmneg @p0 vm2;
	v4 =	vmin.f32 v5, v4  }
0x4f: {  	vm2 =	vmand vm1, vm2;
	(xrf1) =	vsort.ascd.msk.f32 $0xffff, v4, v4  }
0x50: {  	v3 =	vsel vm2, $0x7F61B1E6, v3  }
0x51: {  	(xrf1) =	vsort.ascd.msk.f32 $0xffff, v3, v3;
	_ =	sdelay $0xb  }
0x52: {  	v3, _, _ =	vpop (xrf1)  }
0x53: {  	v3 =	vperm.xlane v3, v1  }
0x54: {  	v63, _, _ =	vpop (xrf1)  }
0x55: {  	v3 =	vmin.f32 v63, v3  }
0x56: {  	(xrf1) =	vsort.ascd.msk.f32 $0xffff, v3, v3;
	_ =	sdelay $0xa  }
0x57: {  	s1 =	sadd.s32 $0x1, s1  }
0x58: {  	p0 =	sne.s32 s1, $0x10  }
.Ltmp1:
0x59: {  	_ = 	snop;
	(pc) =	sbr.rel @p0 .LBB2_2-.Ltmp1, $3  }
0x5a: {  	v3, _, _ =	vpop (xrf1)  }
0x5b: {  	v3 =	vbroadcast v3, $0xF;
	_ =	sdelay $0x1  }
0x5c: {  	v2 =	vsel vm1, v3, v2  }
0x5d: {  	[tilespmem:$0x4000] =	vst v2;
	s1 =	simm.s32 $0x0;
	s2 =	rddreg [dreg:$0x4]  }
0x5e: {  	[hbm4b:s2+s1] =	stream.linear.scatter [tilespmem:s31], [sflag:$0x1], $0x10, $0x38;
	[tilespmem:$0x4080] =	vst v63  }
0x5f: {  	_ =	swait.ge [sflag:s30], $0x10  }
0x60: {  	[sflag:s30] =	ssyncset.done $0x0  }
0x61: {  	s9 =	rddreg [dreg:$0x5];
	[sflag:s30] =	ssyncadd.s32 $0xFFFFFFF0  }
0x62: {  	[tilespmem:s1], [sflag:$0x1] =	stream.linear.gather [hbm4b:s9+s1], $0x4000, $0x38;
	[tilespmem:$0x4080] =	vst v63  }
0x63: {  	_ =	swait.ge [sflag:s30], $0x4000  }
0x64: {  	[sflag:s30] =	ssyncset.done $0x0  }
0x65: {  	v2 =	vimm.f32 $0.0e+00;
	s2 =	simm.s32 $0x0;
	[sflag:s30] =	ssyncadd.s32 $0xFFFFC000  }
.LBB2_6:
0x66: {  	s3 =	sshll.u32 s2, $0xA;
	s5 =	sshll.u32 s2, $0x7  }
0x67: {  	s3 =	sand.u32 $0x2000, s3;
	s5 =	sand.u32 $0x380, s5  }
0x68: {  	s7 =	sand.u32 $0x1C00, s1;
	s3 =	sor.u32 s5, s3  }
0x69: {  	s6 =	sand.u32 $0x70, s1;
	s5 =	sadd.s32 s7, s3  }
0x6a: {  	s5 =	sadd.s32 s6, s5  }
0x6b: {  	v3 =	vld [tilespmem:s5+$0x0];
	_ =	sdelay $0x1  }
0x6c: {  	v4 =	vmov s2;
	p0 =	seq.s32 s22, $0x0;
	vm2 =	vmmov vm0  }
0x6d: {  	vm1 =	veq.s32 v4, v0;
	vm2 =	vmneg @p0 vm2  }
0x6e: {  	vm2 =	vmand vm1, vm2  }
0x6f: {  	v3 =	vsel vm2, $0x7F61B1E6, v3  }
0x70: {  	(xrf1) =	vsort.ascd.msk.f32 $0xffff, v3, v3;
	_ =	sdelay $0x7  }
0x71: {  	s8 =	simm.s32 $0x80  }
0x72: {  	s9 =	simm.s32 $0x10;
	s5 =	sand.u32 $0x1C00, s8  }
0x73: {  	s6 =	sand.u32 $0x70, s9;
	s5 =	sadd.s32 s5, s3  }
0x74: {  	s5 =	sadd.s32 s6, s5  }
0x75: {  	v63 =	vimm.f32 $3.000000010e+38;
	v3 =	vld [tilespmem:s5+$0x0]  }
0x76: {  	v4 =	vperm.xlane v63, v1  }
0x77: {  	p0 =	seq.s32 s22, $0x80;
	vm2 =	vmmov vm0;
	v5, _, _ =	vpop (xrf1)  }
0x78: {  	vm2 =	vmneg @p0 vm2;
	v4 =	vmin.f32 v5, v4  }
0x79: {  	vm2 =	vmand vm1, vm2;
	(xrf1) =	vsort.ascd.msk.f32 $0xffff, v4, v4  }
0x7a: {  	v3 =	vsel vm2, $0x7F61B1E6, v3  }
0x7b: {  	(xrf1) =	vsort.ascd.msk.f32 $0xffff, v3, v3;
	_ =	sdelay $0x7  }
0x7c: {  	s5 =	simm.s32 $0x100  }
0x7d: {  	s7 =	simm.s32 $0x180;
	s6 =	simm.s32 $0x20;
	s8 =	sand.u32 $0x1C00, s5  }
.LBB2_7:
0x7e: {  	p0 =	sne.s32 s7, $0x1F80;
	s9 =	sand.u32 $0x70, s6;
	s8 =	sadd.s32 s8, s3  }
0x7f: {  	s8 =	sadd.s32 s9, s8  }
0x80: {  	v3 =	vld [tilespmem:s8+$0x0];
	v4, _, _ =	vpop (xrf1)  }
0x81: {  	v4 =	vperm.xlane v4, v1  }
0x82: {  	p1 =	seq.s32 s22, s5;
	s5 =	smov.u32 s7;
	vm2 =	vmmov vm0;
	v5, _, _ =	vpop (xrf1)  }
0x83: {  	vm2 =	vmneg @p1 vm2;
	v4 =	vmin.f32 v5, v4  }
0x84: {  	vm2 =	vmand vm1, vm2;
	(xrf1) =	vsort.ascd.msk.f32 $0xffff, v4, v4  }
0x85: {  	v3 =	vsel vm2, $0x7F61B1E6, v3  }
0x86: {  	(xrf1) =	vsort.ascd.msk.f32 $0xffff, v3, v3;
	_ =	sdelay $0x4  }
.Ltmp2:
0x87: {  	(pc) =	sbr.rel @p0 .LBB2_7-.Ltmp2, $2  }
0x88: {  	_ =	sdelay $0x2  }
0x89: {  	s7 =	sadd.s32 $0x80, s7;
	s6 =	sadd.s32 $0x10, s6;
	s8 =	sand.u32 $0x1C00, s5  }
0x8a: {  	s6 =	sand.u32 $0x70, s6;
	s3 =	sadd.s32 s8, s3  }
0x8b: {  	s3 =	sadd.s32 s6, s3  }
0x8c: {  	v3 =	vld [tilespmem:s3+$0x0];
	v4, _, _ =	vpop (xrf1)  }
0x8d: {  	v4 =	vperm.xlane v4, v1  }
0x8e: {  	p0 =	seq.s32 s22, s5;
	vm2 =	vmmov vm0;
	v5, _, _ =	vpop (xrf1)  }
0x8f: {  	vm2 =	vmneg @p0 vm2;
	v4 =	vmin.f32 v5, v4  }
0x90: {  	vm2 =	vmand vm1, vm2;
	(xrf1) =	vsort.ascd.msk.f32 $0xffff, v4, v4  }
0x91: {  	v3 =	vsel vm2, $0x7F61B1E6, v3  }
0x92: {  	(xrf1) =	vsort.ascd.msk.f32 $0xffff, v3, v3;
	_ =	sdelay $0xb  }
0x93: {  	v3, _, _ =	vpop (xrf1)  }
0x94: {  	v3 =	vperm.xlane v3, v1  }
0x95: {  	v63, _, _ =	vpop (xrf1)  }
0x96: {  	v3 =	vmin.f32 v63, v3  }
0x97: {  	(xrf1) =	vsort.ascd.msk.f32 $0xffff, v3, v3;
	_ =	sdelay $0xa  }
0x98: {  	s2 =	sadd.s32 $0x1, s2  }
0x99: {  	p0 =	sne.s32 s2, $0x10  }
.Ltmp3:
0x9a: {  	_ = 	snop;
	(pc) =	sbr.rel @p0 .LBB2_6-.Ltmp3, $3  }
0x9b: {  	v3, _, _ =	vpop (xrf1)  }
0x9c: {  	v3 =	vbroadcast v3, $0xF;
	_ =	sdelay $0x1  }
0x9d: {  	v2 =	vsel vm1, v3, v2  }
0x9e: {  	[tilespmem:$0x4000] =	vst v2;
	s1 =	simm.s32 $0x0;
	s2 =	rddreg [dreg:$0x6]  }
0x9f: {  	[hbm4b:s2+s1] =	stream.linear.scatter [tilespmem:s31], [sflag:$0x1], $0x10, $0x38;
	[tilespmem:$0x4080] =	vst v63  }
0xa0: {  	_ =	swait.ge [sflag:s30], $0x10  }
0xa1: {  	[sflag:s30] =	ssyncset.done $0x0  }
0xa2: {  	s9 =	rddreg [dreg:$0x7];
	[sflag:s30] =	ssyncadd.s32 $0xFFFFFFF0  }
0xa3: {  	[tilespmem:s1], [sflag:$0x1] =	stream.linear.gather [hbm4b:s9+s1], $0x4000, $0x38;
	[tilespmem:$0x4080] =	vst v63  }
0xa4: {  	_ =	swait.ge [sflag:s30], $0x4000  }
0xa5: {  	[sflag:s30] =	ssyncset.done $0x0  }
0xa6: {  	v2 =	vimm.f32 $0.0e+00;
	s2 =	simm.s32 $0x0;
	[sflag:s30] =	ssyncadd.s32 $0xFFFFC000  }
.LBB2_10:
0xa7: {  	s3 =	sshll.u32 s2, $0xA;
	s5 =	sshll.u32 s2, $0x7  }
0xa8: {  	s3 =	sand.u32 $0x2000, s3;
	s5 =	sand.u32 $0x380, s5  }
0xa9: {  	s7 =	sand.u32 $0x1C00, s1;
	s3 =	sor.u32 s5, s3  }
0xaa: {  	s6 =	sand.u32 $0x70, s1;
	s5 =	sadd.s32 s7, s3  }
0xab: {  	s5 =	sadd.s32 s6, s5  }
0xac: {  	v3 =	vld [tilespmem:s5+$0x0];
	_ =	sdelay $0x1  }
0xad: {  	v4 =	vmov s2;
	p0 =	seq.s32 s23, $0x0;
	vm2 =	vmmov vm0  }
0xae: {  	vm1 =	veq.s32 v4, v0;
	vm2 =	vmneg @p0 vm2  }
0xaf: {  	vm2 =	vmand vm1, vm2  }
0xb0: {  	v3 =	vsel vm2, $0x7F61B1E6, v3  }
0xb1: {  	(xrf1) =	vsort.ascd.msk.f32 $0xffff, v3, v3;
	_ =	sdelay $0x7  }
0xb2: {  	s8 =	simm.s32 $0x80  }
0xb3: {  	s9 =	simm.s32 $0x10;
	s5 =	sand.u32 $0x1C00, s8  }
0xb4: {  	s6 =	sand.u32 $0x70, s9;
	s5 =	sadd.s32 s5, s3  }
0xb5: {  	s5 =	sadd.s32 s6, s5  }
0xb6: {  	v63 =	vimm.f32 $3.000000010e+38;
	v3 =	vld [tilespmem:s5+$0x0]  }
0xb7: {  	v4 =	vperm.xlane v63, v1  }
0xb8: {  	p0 =	seq.s32 s23, $0x80;
	vm2 =	vmmov vm0;
	v5, _, _ =	vpop (xrf1)  }
0xb9: {  	vm2 =	vmneg @p0 vm2;
	v4 =	vmin.f32 v5, v4  }
0xba: {  	vm2 =	vmand vm1, vm2;
	(xrf1) =	vsort.ascd.msk.f32 $0xffff, v4, v4  }
0xbb: {  	v3 =	vsel vm2, $0x7F61B1E6, v3  }
0xbc: {  	(xrf1) =	vsort.ascd.msk.f32 $0xffff, v3, v3;
	_ =	sdelay $0x7  }
0xbd: {  	s5 =	simm.s32 $0x100  }
0xbe: {  	s7 =	simm.s32 $0x180;
	s6 =	simm.s32 $0x20;
	s8 =	sand.u32 $0x1C00, s5  }
.LBB2_11:
0xbf: {  	p0 =	sne.s32 s7, $0x1F80;
	s9 =	sand.u32 $0x70, s6;
	s8 =	sadd.s32 s8, s3  }
0xc0: {  	s8 =	sadd.s32 s9, s8  }
0xc1: {  	v3 =	vld [tilespmem:s8+$0x0];
	v4, _, _ =	vpop (xrf1)  }
0xc2: {  	v4 =	vperm.xlane v4, v1  }
0xc3: {  	p1 =	seq.s32 s23, s5;
	s5 =	smov.u32 s7;
	vm2 =	vmmov vm0;
	v5, _, _ =	vpop (xrf1)  }
0xc4: {  	vm2 =	vmneg @p1 vm2;
	v4 =	vmin.f32 v5, v4  }
0xc5: {  	vm2 =	vmand vm1, vm2;
	(xrf1) =	vsort.ascd.msk.f32 $0xffff, v4, v4  }
0xc6: {  	v3 =	vsel vm2, $0x7F61B1E6, v3  }
0xc7: {  	(xrf1) =	vsort.ascd.msk.f32 $0xffff, v3, v3;
	_ =	sdelay $0x4  }
.Ltmp4:
0xc8: {  	(pc) =	sbr.rel @p0 .LBB2_11-.Ltmp4, $2  }
0xc9: {  	_ =	sdelay $0x2  }
0xca: {  	s7 =	sadd.s32 $0x80, s7;
	s6 =	sadd.s32 $0x10, s6;
	s8 =	sand.u32 $0x1C00, s5  }
0xcb: {  	s6 =	sand.u32 $0x70, s6;
	s3 =	sadd.s32 s8, s3  }
0xcc: {  	s3 =	sadd.s32 s6, s3  }
0xcd: {  	v3 =	vld [tilespmem:s3+$0x0];
	v4, _, _ =	vpop (xrf1)  }
0xce: {  	v4 =	vperm.xlane v4, v1  }
0xcf: {  	p0 =	seq.s32 s23, s5;
	vm2 =	vmmov vm0;
	v5, _, _ =	vpop (xrf1)  }
0xd0: {  	vm2 =	vmneg @p0 vm2;
	v4 =	vmin.f32 v5, v4  }
0xd1: {  	vm2 =	vmand vm1, vm2;
	(xrf1) =	vsort.ascd.msk.f32 $0xffff, v4, v4  }
0xd2: {  	v3 =	vsel vm2, $0x7F61B1E6, v3  }
0xd3: {  	(xrf1) =	vsort.ascd.msk.f32 $0xffff, v3, v3;
	_ =	sdelay $0xb  }
0xd4: {  	v3, _, _ =	vpop (xrf1)  }
0xd5: {  	v3 =	vperm.xlane v3, v1  }
0xd6: {  	v63, _, _ =	vpop (xrf1)  }
0xd7: {  	v3 =	vmin.f32 v63, v3  }
0xd8: {  	(xrf1) =	vsort.ascd.msk.f32 $0xffff, v3, v3;
	_ =	sdelay $0xa  }
0xd9: {  	s2 =	sadd.s32 $0x1, s2  }
0xda: {  	p0 =	sne.s32 s2, $0x10  }
.Ltmp5:
0xdb: {  	_ = 	snop;
	(pc) =	sbr.rel @p0 .LBB2_10-.Ltmp5, $3  }
0xdc: {  	v3, _, _ =	vpop (xrf1)  }
0xdd: {  	v3 =	vbroadcast v3, $0xF;
	_ =	sdelay $0x1  }
0xde: {  	v2 =	vsel vm1, v3, v2  }
0xdf: {  	[tilespmem:$0x4000] =	vst v2;
	s1 =	simm.s32 $0x0;
	s2 =	rddreg [dreg:$0x8]  }
0xe0: {  	[hbm4b:s2+s1] =	stream.linear.scatter [tilespmem:s31], [sflag:$0x1], $0x10, $0x38;
	[tilespmem:$0x4080] =	vst v63  }
0xe1: {  	_ =	swait.ge [sflag:s30], $0x10  }
0xe2: {  	[sflag:s30] =	ssyncset.done $0x0  }
0xe3: {  	[sflag:s30] =	ssyncadd.s32 $0xFFFFFFF0  }
0xe4: {  	[tilespmem:s1], [sflag:$0x1] =	stream.linear.gather [hbm4b:s10+s1], $0x4000, $0x38;
	[tilespmem:$0x4080] =	vst v63  }
0xe5: {  	_ =	swait.ge [sflag:s30], $0x4000  }
0xe6: {  	[sflag:s30] =	ssyncset.done $0x0  }
0xe7: {  	v2 =	vimm.f32 $0.0e+00;
	s2 =	simm.s32 $0x0;
	[sflag:s30] =	ssyncadd.s32 $0xFFFFC000  }
.LBB2_14:
0xe8: {  	s3 =	sshll.u32 s2, $0xA;
	s5 =	sshll.u32 s2, $0x7  }
0xe9: {  	s3 =	sand.u32 $0x2000, s3;
	s5 =	sand.u32 $0x380, s5  }
0xea: {  	s7 =	sand.u32 $0x1C00, s1;
	s3 =	sor.u32 s5, s3  }
0xeb: {  	s6 =	sand.u32 $0x70, s1;
	s5 =	sadd.s32 s7, s3  }
0xec: {  	s5 =	sadd.s32 s6, s5  }
0xed: {  	v3 =	vld [tilespmem:s5+$0x0];
	_ =	sdelay $0x1  }
0xee: {  	v4 =	vmov s2;
	p0 =	seq.s32 s24, $0x0;
	vm2 =	vmmov vm0  }
0xef: {  	vm1 =	veq.s32 v4, v0;
	vm2 =	vmneg @p0 vm2  }
0xf0: {  	vm2 =	vmand vm1, vm2  }
0xf1: {  	v3 =	vsel vm2, $0x7F61B1E6, v3  }
0xf2: {  	(xrf1) =	vsort.ascd.msk.f32 $0xffff, v3, v3;
	_ =	sdelay $0x7  }
0xf3: {  	s8 =	simm.s32 $0x80  }
0xf4: {  	s9 =	simm.s32 $0x10;
	s5 =	sand.u32 $0x1C00, s8  }
0xf5: {  	s6 =	sand.u32 $0x70, s9;
	s5 =	sadd.s32 s5, s3  }
0xf6: {  	s5 =	sadd.s32 s6, s5  }
0xf7: {  	v63 =	vimm.f32 $3.000000010e+38;
	v3 =	vld [tilespmem:s5+$0x0]  }
0xf8: {  	v4 =	vperm.xlane v63, v1  }
0xf9: {  	p0 =	seq.s32 s24, $0x80;
	vm2 =	vmmov vm0;
	v5, _, _ =	vpop (xrf1)  }
0xfa: {  	vm2 =	vmneg @p0 vm2;
	v4 =	vmin.f32 v5, v4  }
0xfb: {  	vm2 =	vmand vm1, vm2;
	(xrf1) =	vsort.ascd.msk.f32 $0xffff, v4, v4  }
0xfc: {  	v3 =	vsel vm2, $0x7F61B1E6, v3  }
0xfd: {  	(xrf1) =	vsort.ascd.msk.f32 $0xffff, v3, v3;
	_ =	sdelay $0x7  }
0xfe: {  	s5 =	simm.s32 $0x100  }
0xff: {  	s7 =	simm.s32 $0x180;
	s6 =	simm.s32 $0x20;
	s8 =	sand.u32 $0x1C00, s5  }
.LBB2_15:
0x100: {  	p0 =	sne.s32 s7, $0x1F80;
	s9 =	sand.u32 $0x70, s6;
	s8 =	sadd.s32 s8, s3  }
0x101: {  	s8 =	sadd.s32 s9, s8  }
0x102: {  	v3 =	vld [tilespmem:s8+$0x0];
	v4, _, _ =	vpop (xrf1)  }
0x103: {  	v4 =	vperm.xlane v4, v1  }
0x104: {  	p1 =	seq.s32 s24, s5;
	s5 =	smov.u32 s7;
	vm2 =	vmmov vm0;
	v5, _, _ =	vpop (xrf1)  }
0x105: {  	vm2 =	vmneg @p1 vm2;
	v4 =	vmin.f32 v5, v4  }
0x106: {  	vm2 =	vmand vm1, vm2;
	(xrf1) =	vsort.ascd.msk.f32 $0xffff, v4, v4  }
0x107: {  	v3 =	vsel vm2, $0x7F61B1E6, v3  }
0x108: {  	(xrf1) =	vsort.ascd.msk.f32 $0xffff, v3, v3;
	_ =	sdelay $0x4  }
.Ltmp6:
0x109: {  	(pc) =	sbr.rel @p0 .LBB2_15-.Ltmp6, $2  }
0x10a: {  	_ =	sdelay $0x2  }
0x10b: {  	s7 =	sadd.s32 $0x80, s7;
	s6 =	sadd.s32 $0x10, s6;
	s8 =	sand.u32 $0x1C00, s5  }
0x10c: {  	s6 =	sand.u32 $0x70, s6;
	s3 =	sadd.s32 s8, s3  }
0x10d: {  	s3 =	sadd.s32 s6, s3  }
0x10e: {  	v3 =	vld [tilespmem:s3+$0x0];
	v4, _, _ =	vpop (xrf1)  }
0x10f: {  	v4 =	vperm.xlane v4, v1  }
0x110: {  	p0 =	seq.s32 s24, s5;
	vm2 =	vmmov vm0;
	v5, _, _ =	vpop (xrf1)  }
0x111: {  	vm2 =	vmneg @p0 vm2;
	v4 =	vmin.f32 v5, v4  }
0x112: {  	vm2 =	vmand vm1, vm2;
	(xrf1) =	vsort.ascd.msk.f32 $0xffff, v4, v4  }
0x113: {  	v3 =	vsel vm2, $0x7F61B1E6, v3  }
0x114: {  	(xrf1) =	vsort.ascd.msk.f32 $0xffff, v3, v3;
	_ =	sdelay $0xb  }
0x115: {  	v3, _, _ =	vpop (xrf1)  }
0x116: {  	v3 =	vperm.xlane v3, v1  }
0x117: {  	v63, _, _ =	vpop (xrf1)  }
0x118: {  	v3 =	vmin.f32 v63, v3  }
0x119: {  	(xrf1) =	vsort.ascd.msk.f32 $0xffff, v3, v3;
	_ =	sdelay $0xa  }
0x11a: {  	s2 =	sadd.s32 $0x1, s2  }
0x11b: {  	p0 =	sne.s32 s2, $0x10  }
.Ltmp7:
0x11c: {  	_ = 	snop;
	(pc) =	sbr.rel @p0 .LBB2_14-.Ltmp7, $3  }
0x11d: {  	v3, _, _ =	vpop (xrf1)  }
0x11e: {  	v3 =	vbroadcast v3, $0xF;
	_ =	sdelay $0x1  }
0x11f: {  	v2 =	vsel vm1, v3, v2  }
0x120: {  	[tilespmem:$0x4000] =	vst v2;
	s1 =	simm.s32 $0x0  }
0x121: {  	[hbm4b:s11+s1] =	stream.linear.scatter [tilespmem:s31], [sflag:$0x1], $0x10, $0x38;
	[tilespmem:$0x4080] =	vst v63  }
0x122: {  	_ =	swait.ge [sflag:s30], $0x10  }
0x123: {  	[sflag:s30] =	ssyncset.done $0x0  }
0x124: {  	[sflag:s30] =	ssyncadd.s32 $0xFFFFFFF0  }
0x125: {  	[tilespmem:s1], [sflag:$0x1] =	stream.linear.gather [hbm4b:s12+s1], $0x4000, $0x38;
	[tilespmem:$0x4080] =	vst v63  }
0x126: {  	_ =	swait.ge [sflag:s30], $0x4000  }
0x127: {  	[sflag:s30] =	ssyncset.done $0x0  }
0x128: {  	v2 =	vimm.f32 $0.0e+00;
	s2 =	simm.s32 $0x0;
	[sflag:s30] =	ssyncadd.s32 $0xFFFFC000  }
.LBB2_18:
0x129: {  	s3 =	sshll.u32 s2, $0xA;
	s5 =	sshll.u32 s2, $0x7  }
0x12a: {  	s3 =	sand.u32 $0x2000, s3;
	s5 =	sand.u32 $0x380, s5  }
0x12b: {  	s7 =	sand.u32 $0x1C00, s1;
	s3 =	sor.u32 s5, s3  }
0x12c: {  	s6 =	sand.u32 $0x70, s1;
	s5 =	sadd.s32 s7, s3  }
0x12d: {  	s5 =	sadd.s32 s6, s5  }
0x12e: {  	v3 =	vld [tilespmem:s5+$0x0];
	_ =	sdelay $0x1  }
0x12f: {  	v4 =	vmov s2;
	p0 =	seq.s32 s25, $0x0;
	vm2 =	vmmov vm0  }
0x130: {  	vm1 =	veq.s32 v4, v0;
	vm2 =	vmneg @p0 vm2  }
0x131: {  	vm2 =	vmand vm1, vm2  }
0x132: {  	v3 =	vsel vm2, $0x7F61B1E6, v3  }
0x133: {  	(xrf1) =	vsort.ascd.msk.f32 $0xffff, v3, v3;
	_ =	sdelay $0x7  }
0x134: {  	s8 =	simm.s32 $0x80  }
0x135: {  	s9 =	simm.s32 $0x10;
	s5 =	sand.u32 $0x1C00, s8  }
0x136: {  	s6 =	sand.u32 $0x70, s9;
	s5 =	sadd.s32 s5, s3  }
0x137: {  	s5 =	sadd.s32 s6, s5  }
0x138: {  	v63 =	vimm.f32 $3.000000010e+38;
	v3 =	vld [tilespmem:s5+$0x0]  }
0x139: {  	v4 =	vperm.xlane v63, v1  }
0x13a: {  	p0 =	seq.s32 s25, $0x80;
	vm2 =	vmmov vm0;
	v5, _, _ =	vpop (xrf1)  }
0x13b: {  	vm2 =	vmneg @p0 vm2;
	v4 =	vmin.f32 v5, v4  }
0x13c: {  	vm2 =	vmand vm1, vm2;
	(xrf1) =	vsort.ascd.msk.f32 $0xffff, v4, v4  }
0x13d: {  	v3 =	vsel vm2, $0x7F61B1E6, v3  }
0x13e: {  	(xrf1) =	vsort.ascd.msk.f32 $0xffff, v3, v3;
	_ =	sdelay $0x7  }
0x13f: {  	s5 =	simm.s32 $0x100  }
0x140: {  	s7 =	simm.s32 $0x180;
	s6 =	simm.s32 $0x20;
	s8 =	sand.u32 $0x1C00, s5  }
.LBB2_19:
0x141: {  	p0 =	sne.s32 s7, $0x1F80;
	s9 =	sand.u32 $0x70, s6;
	s8 =	sadd.s32 s8, s3  }
0x142: {  	s8 =	sadd.s32 s9, s8  }
0x143: {  	v3 =	vld [tilespmem:s8+$0x0];
	v4, _, _ =	vpop (xrf1)  }
0x144: {  	v4 =	vperm.xlane v4, v1  }
0x145: {  	p1 =	seq.s32 s25, s5;
	s5 =	smov.u32 s7;
	vm2 =	vmmov vm0;
	v5, _, _ =	vpop (xrf1)  }
0x146: {  	vm2 =	vmneg @p1 vm2;
	v4 =	vmin.f32 v5, v4  }
0x147: {  	vm2 =	vmand vm1, vm2;
	(xrf1) =	vsort.ascd.msk.f32 $0xffff, v4, v4  }
0x148: {  	v3 =	vsel vm2, $0x7F61B1E6, v3  }
0x149: {  	(xrf1) =	vsort.ascd.msk.f32 $0xffff, v3, v3;
	_ =	sdelay $0x4  }
.Ltmp8:
0x14a: {  	(pc) =	sbr.rel @p0 .LBB2_19-.Ltmp8, $2  }
0x14b: {  	_ =	sdelay $0x2  }
0x14c: {  	s7 =	sadd.s32 $0x80, s7;
	s6 =	sadd.s32 $0x10, s6;
	s8 =	sand.u32 $0x1C00, s5  }
0x14d: {  	s6 =	sand.u32 $0x70, s6;
	s3 =	sadd.s32 s8, s3  }
0x14e: {  	s3 =	sadd.s32 s6, s3  }
0x14f: {  	v3 =	vld [tilespmem:s3+$0x0];
	v4, _, _ =	vpop (xrf1)  }
0x150: {  	v4 =	vperm.xlane v4, v1  }
0x151: {  	p0 =	seq.s32 s25, s5;
	vm2 =	vmmov vm0;
	v5, _, _ =	vpop (xrf1)  }
0x152: {  	vm2 =	vmneg @p0 vm2;
	v4 =	vmin.f32 v5, v4  }
0x153: {  	vm2 =	vmand vm1, vm2;
	(xrf1) =	vsort.ascd.msk.f32 $0xffff, v4, v4  }
0x154: {  	v3 =	vsel vm2, $0x7F61B1E6, v3  }
0x155: {  	(xrf1) =	vsort.ascd.msk.f32 $0xffff, v3, v3;
	_ =	sdelay $0xb  }
0x156: {  	v3, _, _ =	vpop (xrf1)  }
0x157: {  	v3 =	vperm.xlane v3, v1  }
0x158: {  	v63, _, _ =	vpop (xrf1)  }
0x159: {  	v3 =	vmin.f32 v63, v3  }
0x15a: {  	(xrf1) =	vsort.ascd.msk.f32 $0xffff, v3, v3;
	_ =	sdelay $0xa  }
0x15b: {  	s2 =	sadd.s32 $0x1, s2  }
0x15c: {  	p0 =	sne.s32 s2, $0x10  }
.Ltmp9:
0x15d: {  	_ = 	snop;
	(pc) =	sbr.rel @p0 .LBB2_18-.Ltmp9, $3  }
0x15e: {  	v3, _, _ =	vpop (xrf1)  }
0x15f: {  	v3 =	vbroadcast v3, $0xF;
	_ =	sdelay $0x1  }
0x160: {  	v2 =	vsel vm1, v3, v2  }
0x161: {  	[tilespmem:$0x4000] =	vst v2;
	s1 =	simm.s32 $0x0  }
0x162: {  	[hbm4b:s13+s1] =	stream.linear.scatter [tilespmem:s31], [sflag:$0x1], $0x10, $0x38;
	[tilespmem:$0x4080] =	vst v63  }
0x163: {  	_ =	swait.ge [sflag:s30], $0x10  }
0x164: {  	[sflag:s30] =	ssyncset.done $0x0  }
0x165: {  	[sflag:s30] =	ssyncadd.s32 $0xFFFFFFF0  }
0x166: {  	[tilespmem:s1], [sflag:$0x1] =	stream.linear.gather [hbm4b:s14+s1], $0x4000, $0x38;
	[tilespmem:$0x4080] =	vst v63  }
0x167: {  	_ =	swait.ge [sflag:s30], $0x4000  }
0x168: {  	[sflag:s30] =	ssyncset.done $0x0  }
0x169: {  	v2 =	vimm.f32 $0.0e+00;
	s2 =	simm.s32 $0x0;
	[sflag:s30] =	ssyncadd.s32 $0xFFFFC000  }
.LBB2_22:
0x16a: {  	s3 =	sshll.u32 s2, $0xA;
	s5 =	sshll.u32 s2, $0x7  }
0x16b: {  	s3 =	sand.u32 $0x2000, s3;
	s5 =	sand.u32 $0x380, s5  }
0x16c: {  	s7 =	sand.u32 $0x1C00, s1;
	s3 =	sor.u32 s5, s3  }
0x16d: {  	s6 =	sand.u32 $0x70, s1;
	s5 =	sadd.s32 s7, s3  }
0x16e: {  	s5 =	sadd.s32 s6, s5  }
0x16f: {  	v3 =	vld [tilespmem:s5+$0x0];
	_ =	sdelay $0x1  }
0x170: {  	v4 =	vmov s2;
	p0 =	seq.s32 s26, $0x0;
	vm2 =	vmmov vm0  }
0x171: {  	vm1 =	veq.s32 v4, v0;
	vm2 =	vmneg @p0 vm2  }
0x172: {  	vm2 =	vmand vm1, vm2  }
0x173: {  	v3 =	vsel vm2, $0x7F61B1E6, v3  }
0x174: {  	(xrf1) =	vsort.ascd.msk.f32 $0xffff, v3, v3;
	_ =	sdelay $0x7  }
0x175: {  	s8 =	simm.s32 $0x80  }
0x176: {  	s9 =	simm.s32 $0x10;
	s5 =	sand.u32 $0x1C00, s8  }
0x177: {  	s6 =	sand.u32 $0x70, s9;
	s5 =	sadd.s32 s5, s3  }
0x178: {  	s5 =	sadd.s32 s6, s5  }
0x179: {  	v63 =	vimm.f32 $3.000000010e+38;
	v3 =	vld [tilespmem:s5+$0x0]  }
0x17a: {  	v4 =	vperm.xlane v63, v1  }
0x17b: {  	p0 =	seq.s32 s26, $0x80;
	vm2 =	vmmov vm0;
	v5, _, _ =	vpop (xrf1)  }
0x17c: {  	vm2 =	vmneg @p0 vm2;
	v4 =	vmin.f32 v5, v4  }
0x17d: {  	vm2 =	vmand vm1, vm2;
	(xrf1) =	vsort.ascd.msk.f32 $0xffff, v4, v4  }
0x17e: {  	v3 =	vsel vm2, $0x7F61B1E6, v3  }
0x17f: {  	(xrf1) =	vsort.ascd.msk.f32 $0xffff, v3, v3;
	_ =	sdelay $0x7  }
0x180: {  	s5 =	simm.s32 $0x100  }
0x181: {  	s7 =	simm.s32 $0x180;
	s6 =	simm.s32 $0x20;
	s8 =	sand.u32 $0x1C00, s5  }
.LBB2_23:
0x182: {  	p0 =	sne.s32 s7, $0x1F80;
	s9 =	sand.u32 $0x70, s6;
	s8 =	sadd.s32 s8, s3  }
0x183: {  	s8 =	sadd.s32 s9, s8  }
0x184: {  	v3 =	vld [tilespmem:s8+$0x0];
	v4, _, _ =	vpop (xrf1)  }
0x185: {  	v4 =	vperm.xlane v4, v1  }
0x186: {  	p1 =	seq.s32 s26, s5;
	s5 =	smov.u32 s7;
	vm2 =	vmmov vm0;
	v5, _, _ =	vpop (xrf1)  }
0x187: {  	vm2 =	vmneg @p1 vm2;
	v4 =	vmin.f32 v5, v4  }
0x188: {  	vm2 =	vmand vm1, vm2;
	(xrf1) =	vsort.ascd.msk.f32 $0xffff, v4, v4  }
0x189: {  	v3 =	vsel vm2, $0x7F61B1E6, v3  }
0x18a: {  	(xrf1) =	vsort.ascd.msk.f32 $0xffff, v3, v3;
	_ =	sdelay $0x4  }
.Ltmp10:
0x18b: {  	(pc) =	sbr.rel @p0 .LBB2_23-.Ltmp10, $2  }
0x18c: {  	_ =	sdelay $0x2  }
0x18d: {  	s7 =	sadd.s32 $0x80, s7;
	s6 =	sadd.s32 $0x10, s6;
	s8 =	sand.u32 $0x1C00, s5  }
0x18e: {  	s6 =	sand.u32 $0x70, s6;
	s3 =	sadd.s32 s8, s3  }
0x18f: {  	s3 =	sadd.s32 s6, s3  }
0x190: {  	v3 =	vld [tilespmem:s3+$0x0];
	v4, _, _ =	vpop (xrf1)  }
0x191: {  	v4 =	vperm.xlane v4, v1  }
0x192: {  	p0 =	seq.s32 s26, s5;
	vm2 =	vmmov vm0;
	v5, _, _ =	vpop (xrf1)  }
0x193: {  	vm2 =	vmneg @p0 vm2;
	v4 =	vmin.f32 v5, v4  }
0x194: {  	vm2 =	vmand vm1, vm2;
	(xrf1) =	vsort.ascd.msk.f32 $0xffff, v4, v4  }
0x195: {  	v3 =	vsel vm2, $0x7F61B1E6, v3  }
0x196: {  	(xrf1) =	vsort.ascd.msk.f32 $0xffff, v3, v3;
	_ =	sdelay $0xb  }
0x197: {  	v3, _, _ =	vpop (xrf1)  }
0x198: {  	v3 =	vperm.xlane v3, v1  }
0x199: {  	v63, _, _ =	vpop (xrf1)  }
0x19a: {  	v3 =	vmin.f32 v63, v3  }
0x19b: {  	(xrf1) =	vsort.ascd.msk.f32 $0xffff, v3, v3;
	_ =	sdelay $0xa  }
0x19c: {  	s2 =	sadd.s32 $0x1, s2  }
0x19d: {  	p0 =	sne.s32 s2, $0x10  }
.Ltmp11:
0x19e: {  	_ = 	snop;
	(pc) =	sbr.rel @p0 .LBB2_22-.Ltmp11, $3  }
0x19f: {  	v3, _, _ =	vpop (xrf1)  }
0x1a0: {  	v3 =	vbroadcast v3, $0xF;
	_ =	sdelay $0x1  }
0x1a1: {  	v2 =	vsel vm1, v3, v2  }
0x1a2: {  	[tilespmem:$0x4000] =	vst v2;
	s1 =	simm.s32 $0x0  }
0x1a3: {  	[hbm4b:s15+s1] =	stream.linear.scatter [tilespmem:s31], [sflag:$0x1], $0x10, $0x38;
	[tilespmem:$0x4080] =	vst v63  }
0x1a4: {  	_ =	swait.ge [sflag:s30], $0x10  }
0x1a5: {  	[sflag:s30] =	ssyncset.done $0x0  }
0x1a6: {  	[sflag:s30] =	ssyncadd.s32 $0xFFFFFFF0  }
0x1a7: {  	[tilespmem:s1], [sflag:$0x1] =	stream.linear.gather [hbm4b:s16+s1], $0x4000, $0x38;
	[tilespmem:$0x4080] =	vst v63  }
0x1a8: {  	_ =	swait.ge [sflag:s30], $0x4000  }
0x1a9: {  	[sflag:s30] =	ssyncset.done $0x0  }
0x1aa: {  	v2 =	vimm.f32 $0.0e+00;
	s2 =	simm.s32 $0x0;
	[sflag:s30] =	ssyncadd.s32 $0xFFFFC000  }
.LBB2_26:
0x1ab: {  	s3 =	sshll.u32 s2, $0xA;
	s5 =	sshll.u32 s2, $0x7  }
0x1ac: {  	s3 =	sand.u32 $0x2000, s3;
	s5 =	sand.u32 $0x380, s5  }
0x1ad: {  	s7 =	sand.u32 $0x1C00, s1;
	s3 =	sor.u32 s5, s3  }
0x1ae: {  	s6 =	sand.u32 $0x70, s1;
	s5 =	sadd.s32 s7, s3  }
0x1af: {  	s5 =	sadd.s32 s6, s5  }
0x1b0: {  	v3 =	vld [tilespmem:s5+$0x0];
	_ =	sdelay $0x1  }
0x1b1: {  	v4 =	vmov s2;
	p0 =	seq.s32 s28, $0x0;
	vm2 =	vmmov vm0  }
0x1b2: {  	vm1 =	veq.s32 v4, v0;
	vm2 =	vmneg @p0 vm2  }
0x1b3: {  	vm2 =	vmand vm1, vm2  }
0x1b4: {  	v3 =	vsel vm2, $0x7F61B1E6, v3  }
0x1b5: {  	(xrf1) =	vsort.ascd.msk.f32 $0xffff, v3, v3;
	_ =	sdelay $0x7  }
0x1b6: {  	s8 =	simm.s32 $0x80  }
0x1b7: {  	s9 =	simm.s32 $0x10;
	s5 =	sand.u32 $0x1C00, s8  }
0x1b8: {  	s6 =	sand.u32 $0x70, s9;
	s5 =	sadd.s32 s5, s3  }
0x1b9: {  	s5 =	sadd.s32 s6, s5  }
0x1ba: {  	v63 =	vimm.f32 $3.000000010e+38;
	v3 =	vld [tilespmem:s5+$0x0]  }
0x1bb: {  	v4 =	vperm.xlane v63, v1  }
0x1bc: {  	p0 =	seq.s32 s28, $0x80;
	vm2 =	vmmov vm0;
	v5, _, _ =	vpop (xrf1)  }
0x1bd: {  	vm2 =	vmneg @p0 vm2;
	v4 =	vmin.f32 v5, v4  }
0x1be: {  	vm2 =	vmand vm1, vm2;
	(xrf1) =	vsort.ascd.msk.f32 $0xffff, v4, v4  }
0x1bf: {  	v3 =	vsel vm2, $0x7F61B1E6, v3  }
0x1c0: {  	(xrf1) =	vsort.ascd.msk.f32 $0xffff, v3, v3;
	_ =	sdelay $0x7  }
0x1c1: {  	s5 =	simm.s32 $0x100  }
0x1c2: {  	s7 =	simm.s32 $0x180;
	s6 =	simm.s32 $0x20;
	s8 =	sand.u32 $0x1C00, s5  }
.LBB2_27:
0x1c3: {  	p0 =	sne.s32 s7, $0x1F80;
	s9 =	sand.u32 $0x70, s6;
	s8 =	sadd.s32 s8, s3  }
0x1c4: {  	s8 =	sadd.s32 s9, s8  }
0x1c5: {  	v3 =	vld [tilespmem:s8+$0x0];
	v4, _, _ =	vpop (xrf1)  }
0x1c6: {  	v4 =	vperm.xlane v4, v1  }
0x1c7: {  	p1 =	seq.s32 s28, s5;
	s5 =	smov.u32 s7;
	vm2 =	vmmov vm0;
	v5, _, _ =	vpop (xrf1)  }
0x1c8: {  	vm2 =	vmneg @p1 vm2;
	v4 =	vmin.f32 v5, v4  }
0x1c9: {  	vm2 =	vmand vm1, vm2;
	(xrf1) =	vsort.ascd.msk.f32 $0xffff, v4, v4  }
0x1ca: {  	v3 =	vsel vm2, $0x7F61B1E6, v3  }
0x1cb: {  	(xrf1) =	vsort.ascd.msk.f32 $0xffff, v3, v3;
	_ =	sdelay $0x4  }
.Ltmp12:
0x1cc: {  	(pc) =	sbr.rel @p0 .LBB2_27-.Ltmp12, $2  }
0x1cd: {  	_ =	sdelay $0x2  }
0x1ce: {  	s7 =	sadd.s32 $0x80, s7;
	s6 =	sadd.s32 $0x10, s6;
	s8 =	sand.u32 $0x1C00, s5  }
0x1cf: {  	s6 =	sand.u32 $0x70, s6;
	s3 =	sadd.s32 s8, s3  }
0x1d0: {  	s3 =	sadd.s32 s6, s3  }
0x1d1: {  	v3 =	vld [tilespmem:s3+$0x0];
	v4, _, _ =	vpop (xrf1)  }
0x1d2: {  	v4 =	vperm.xlane v4, v1  }
0x1d3: {  	p0 =	seq.s32 s28, s5;
	vm2 =	vmmov vm0;
	v5, _, _ =	vpop (xrf1)  }
0x1d4: {  	vm2 =	vmneg @p0 vm2;
	v4 =	vmin.f32 v5, v4  }
0x1d5: {  	vm2 =	vmand vm1, vm2;
	(xrf1) =	vsort.ascd.msk.f32 $0xffff, v4, v4  }
0x1d6: {  	v3 =	vsel vm2, $0x7F61B1E6, v3  }
0x1d7: {  	(xrf1) =	vsort.ascd.msk.f32 $0xffff, v3, v3;
	_ =	sdelay $0xb  }
0x1d8: {  	v3, _, _ =	vpop (xrf1)  }
0x1d9: {  	v3 =	vperm.xlane v3, v1  }
0x1da: {  	v63, _, _ =	vpop (xrf1)  }
0x1db: {  	v3 =	vmin.f32 v63, v3  }
0x1dc: {  	(xrf1) =	vsort.ascd.msk.f32 $0xffff, v3, v3;
	_ =	sdelay $0xa  }
0x1dd: {  	s2 =	sadd.s32 $0x1, s2  }
0x1de: {  	p0 =	sne.s32 s2, $0x10  }
.Ltmp13:
0x1df: {  	_ = 	snop;
	(pc) =	sbr.rel @p0 .LBB2_26-.Ltmp13, $3  }
0x1e0: {  	v3, _, _ =	vpop (xrf1)  }
0x1e1: {  	v3 =	vbroadcast v3, $0xF;
	_ =	sdelay $0x1  }
0x1e2: {  	v2 =	vsel vm1, v3, v2  }
0x1e3: {  	[tilespmem:$0x4000] =	vst v2;
	s1 =	simm.s32 $0x0  }
0x1e4: {  	[hbm4b:s17+s1] =	stream.linear.scatter [tilespmem:s31], [sflag:$0x1], $0x10, $0x38;
	[tilespmem:$0x4080] =	vst v63  }
0x1e5: {  	_ =	swait.ge [sflag:s30], $0x10  }
0x1e6: {  	[sflag:s30] =	ssyncset.done $0x0  }
0x1e7: {  	[sflag:s30] =	ssyncadd.s32 $0xFFFFFFF0  }
0x1e8: {  	[tilespmem:s1], [sflag:$0x1] =	stream.linear.gather [hbm4b:s18+s1], $0x4000, $0x38;
	[tilespmem:$0x4080] =	vst v63  }
0x1e9: {  	_ =	swait.ge [sflag:s30], $0x4000  }
0x1ea: {  	[sflag:s30] =	ssyncset.done $0x0  }
0x1eb: {  	v2 =	vimm.f32 $0.0e+00;
	s2 =	simm.s32 $0x0;
	[sflag:s30] =	ssyncadd.s32 $0xFFFFC000  }
.LBB2_30:
0x1ec: {  	s3 =	sshll.u32 s2, $0xA;
	s5 =	sshll.u32 s2, $0x7  }
0x1ed: {  	s3 =	sand.u32 $0x2000, s3;
	s5 =	sand.u32 $0x380, s5  }
0x1ee: {  	s7 =	sand.u32 $0x1C00, s1;
	s3 =	sor.u32 s5, s3  }
0x1ef: {  	s6 =	sand.u32 $0x70, s1;
	s5 =	sadd.s32 s7, s3  }
0x1f0: {  	s5 =	sadd.s32 s6, s5  }
0x1f1: {  	v3 =	vld [tilespmem:s5+$0x0];
	_ =	sdelay $0x1  }
0x1f2: {  	v4 =	vmov s2;
	p0 =	seq.s32 s29, $0x0;
	vm2 =	vmmov vm0  }
0x1f3: {  	vm1 =	veq.s32 v4, v0;
	vm2 =	vmneg @p0 vm2  }
0x1f4: {  	vm2 =	vmand vm1, vm2  }
0x1f5: {  	v3 =	vsel vm2, $0x7F61B1E6, v3  }
0x1f6: {  	(xrf1) =	vsort.ascd.msk.f32 $0xffff, v3, v3;
	_ =	sdelay $0x7  }
0x1f7: {  	s8 =	simm.s32 $0x80  }
0x1f8: {  	s9 =	simm.s32 $0x10;
	s5 =	sand.u32 $0x1C00, s8  }
0x1f9: {  	s6 =	sand.u32 $0x70, s9;
	s5 =	sadd.s32 s5, s3  }
0x1fa: {  	s5 =	sadd.s32 s6, s5  }
0x1fb: {  	v63 =	vimm.f32 $3.000000010e+38;
	v3 =	vld [tilespmem:s5+$0x0]  }
0x1fc: {  	v4 =	vperm.xlane v63, v1  }
0x1fd: {  	p0 =	seq.s32 s29, $0x80;
	vm2 =	vmmov vm0;
	v5, _, _ =	vpop (xrf1)  }
0x1fe: {  	vm2 =	vmneg @p0 vm2;
	v4 =	vmin.f32 v5, v4  }
0x1ff: {  	vm2 =	vmand vm1, vm2;
	(xrf1) =	vsort.ascd.msk.f32 $0xffff, v4, v4  }
0x200: {  	v3 =	vsel vm2, $0x7F61B1E6, v3  }
0x201: {  	(xrf1) =	vsort.ascd.msk.f32 $0xffff, v3, v3;
	_ =	sdelay $0x7  }
0x202: {  	s5 =	simm.s32 $0x100  }
0x203: {  	s7 =	simm.s32 $0x180;
	s6 =	simm.s32 $0x20;
	s8 =	sand.u32 $0x1C00, s5  }
.LBB2_31:
0x204: {  	p0 =	sne.s32 s7, $0x1F80;
	s9 =	sand.u32 $0x70, s6;
	s8 =	sadd.s32 s8, s3  }
0x205: {  	s8 =	sadd.s32 s9, s8  }
0x206: {  	v3 =	vld [tilespmem:s8+$0x0];
	v4, _, _ =	vpop (xrf1)  }
0x207: {  	v4 =	vperm.xlane v4, v1  }
0x208: {  	p1 =	seq.s32 s29, s5;
	s5 =	smov.u32 s7;
	vm2 =	vmmov vm0;
	v5, _, _ =	vpop (xrf1)  }
0x209: {  	vm2 =	vmneg @p1 vm2;
	v4 =	vmin.f32 v5, v4  }
0x20a: {  	vm2 =	vmand vm1, vm2;
	(xrf1) =	vsort.ascd.msk.f32 $0xffff, v4, v4  }
0x20b: {  	v3 =	vsel vm2, $0x7F61B1E6, v3  }
0x20c: {  	(xrf1) =	vsort.ascd.msk.f32 $0xffff, v3, v3;
	_ =	sdelay $0x4  }
.Ltmp14:
0x20d: {  	(pc) =	sbr.rel @p0 .LBB2_31-.Ltmp14, $2  }
0x20e: {  	_ =	sdelay $0x2  }
0x20f: {  	s7 =	sadd.s32 $0x80, s7;
	s6 =	sadd.s32 $0x10, s6;
	s8 =	sand.u32 $0x1C00, s5  }
0x210: {  	s6 =	sand.u32 $0x70, s6;
	s3 =	sadd.s32 s8, s3  }
0x211: {  	s3 =	sadd.s32 s6, s3  }
0x212: {  	v3 =	vld [tilespmem:s3+$0x0];
	v4, _, _ =	vpop (xrf1)  }
0x213: {  	v4 =	vperm.xlane v4, v1  }
0x214: {  	p0 =	seq.s32 s29, s5;
	vm2 =	vmmov vm0;
	v5, _, _ =	vpop (xrf1)  }
0x215: {  	vm2 =	vmneg @p0 vm2;
	v4 =	vmin.f32 v5, v4  }
0x216: {  	vm2 =	vmand vm1, vm2;
	(xrf1) =	vsort.ascd.msk.f32 $0xffff, v4, v4  }
0x217: {  	v3 =	vsel vm2, $0x7F61B1E6, v3  }
0x218: {  	(xrf1) =	vsort.ascd.msk.f32 $0xffff, v3, v3;
	_ =	sdelay $0xb  }
0x219: {  	v3, _, _ =	vpop (xrf1)  }
0x21a: {  	v3 =	vperm.xlane v3, v1  }
0x21b: {  	v63, _, _ =	vpop (xrf1)  }
0x21c: {  	v3 =	vmin.f32 v63, v3  }
0x21d: {  	(xrf1) =	vsort.ascd.msk.f32 $0xffff, v3, v3;
	_ =	sdelay $0xa  }
0x21e: {  	s2 =	sadd.s32 $0x1, s2  }
0x21f: {  	p0 =	sne.s32 s2, $0x10  }
.Ltmp15:
0x220: {  	_ = 	snop;
	(pc) =	sbr.rel @p0 .LBB2_30-.Ltmp15, $3  }
0x221: {  	v3, _, _ =	vpop (xrf1)  }
0x222: {  	v3 =	vbroadcast v3, $0xF;
	_ =	sdelay $0x1  }
0x223: {  	v2 =	vsel vm1, v3, v2  }
0x224: {  	s0 =	sadd.s32 $0x1, s0  }
0x225: {  	p0 =	sne.s32 s0, s20  }
.Ltmp16:
0x226: {  	[tilespmem:$0x4000] =	vst v2;
	s8 =	simm.s32 $0x0;
	(pc) =	sbr.rel @p0 .LBB2_1-.Ltmp16, $4  }
0x227: {  	[hbm4b:s19+s8] =	stream.linear.scatter [tilespmem:s31], [sflag:$0x1], $0x10, $0x38;
	[tilespmem:$0x4080] =	vst v63  }
0x228: {  	_ =	swait.ge [sflag:s30], $0x10  }
0x229: {  	[sflag:s30] =	ssyncset.done $0x0  }
0x22a: {  	[sflag:s30] =	ssyncadd.s32 $0xFFFFFFF0  }
0x22b: {  	_ =	sfence.sel $0x180000  }
0x22c: {  	[bflag:$0x0] =	sbarrier.arrive $0xFFFF  }
0x22d: {  	_ =	strace $0x90000047  }
0x22e: {  	s0 =	stileid.u32;
	[bflag:$0x2] =	sbarrier.arrive $0xFFFF  }
0x22f: {  	p0 =	sne.s32 s0, $0x0;
	s0 =	rddreg [dreg:$0x2]  }
0x230: {  	s0 =	sadd.s32 @!p0 $0x100000, s0  }
0x231: {  	[sflag:s0] =	ssyncadd.tile.s32 @!p0 $0x1;
	_ =	shalt  }
.Lfunc_end2:
_tile_overlayer_lowered:
.L_overlay_start_2:
0x232: {  	(tag) =	ssettag $0x2  }
0x233: {  	s0 =	rddreg [dreg:$0x0];
	s2 =	stileid.u32  }
0x234: {  	s1 =	rddreg [dreg:$0x1];
	p0 =	sne.s32 s2, $0x0  }
0x235: {  	s3 =	rddreg [dreg:$0x2];
	[bflag:$0x3] =	sbarrier.arrive $0xFFFF;
	s2 =	simm.s32 @!p0 $0x1C01  }
0x236: {  	[timem:s3], [sflag:s2] =	dma.local @!p0 [hbm:s0], s1  }
0x237: {  	s0 =	simm.s32 @!p0 $0x1  }
0x238: {  	_ =	swait.ge @!p0 [sflag:s0], s1  }
0x239: {  	s1 =	ssub.s32 @!p0 $0x0, s1;
	[sflag:s0] =	ssyncset.done @!p0 $0x0  }
0x23a: {  	[sflag:s0] =	ssyncadd.s32 @!p0 s1  }
0x23b: {  	[bflag:$0x3] =	sbarrier.arrive $0xFFFF  }
0x23c: {  	_ =	shalt  }

</sc_bundles>
